<compile_context>
chip_gen: v7x
topology: tpu7x:2x2x1
jax: 0.10.2.dev20260603
libtpu: 0.0.44.dev20260713+nightly
codegen_flags: <defaults>
</compile_context>

<pallas_src>
import jax
import jax.numpy as jnp
from jax.experimental import pallas as pl
from jax.experimental.pallas import tpu as pltpu
from jax.experimental.pallas import tpu_sc as plsc

_K = 8192
_D = 256
_BN = 512
_COMMIT = 0.25

_NC = 2
_NS = 16
_NW = _NC * _NS
_CH = 128


def _gather_body(w_hbm, idx_hbm, out_hbm, idx_v, rows_v, sem):
    nch = idx_v.shape[0]
    ch_tokens = _CH
    wid = jax.lax.axis_index("s") * _NC + jax.lax.axis_index("c")
    pltpu.sync_copy(idx_hbm.at[wid], idx_v)
    cps = [
        pltpu.async_copy(w_hbm.at[idx_v.at[j]], rows_v.at[j], sem)
        for j in range(nch)
    ]
    for j, cp in enumerate(cps):
        cp.wait()
        pltpu.sync_copy(
            rows_v.at[j],
            out_hbm.at[pl.ds((wid * nch + j) * ch_tokens, ch_tokens)])


def _sc_gather(weight, idx):
    n = idx.shape[0]
    nch = n // (_NW * _CH)
    mesh = plsc.VectorSubcoreMesh(
        core_axis_name="c", subcore_axis_name="s",
        num_cores=_NC, num_subcores=_NS)
    run = pl.kernel(
        _gather_body,
        out_type=jax.ShapeDtypeStruct((n, _D), jnp.float32),
        mesh=mesh,
        scratch_types=[
            pltpu.VMEM((nch, _CH), jnp.int32),
            pltpu.VMEM((nch, _CH, _D), jnp.float32),
            pltpu.SemaphoreType.DMA,
        ],
    )
    return run(weight, idx.reshape(_NW, nch, _CH))


_CW = 256


def _argmin_body(z_ref, w_ref, a_ref, b_ref, idx_ref, acc_ref):
    i = pl.program_id(0)
    bn = z_ref.shape[0]
    zm2 = z_ref[...] * jnp.float32(-2.0)
    a = a_ref[...]

    m_acc = jnp.full((bn, _CW), jnp.inf, jnp.float32)
    i_acc = jnp.zeros((bn, _CW), jnp.int32)
    for c in range(_K // _CW):
        w_c = w_ref[c * _CW:(c + 1) * _CW, :]
        mm2 = jax.lax.dot_general(
            zm2, w_c, (((1,), (1,)), ((), ())),
            preferred_element_type=jnp.float32)
        d = (a + b_ref[:, c * _CW:(c + 1) * _CW]) + mm2
        upd = d < m_acc
        i_acc = jnp.where(upd, jnp.int32(c), i_acc)
        m_acc = jnp.minimum(m_acc, d)

    m = jnp.min(m_acc, axis=1, keepdims=True)
    col = jax.lax.broadcasted_iota(jnp.int32, (bn, _CW), 1)
    key = jnp.where(m_acc == m, i_acc * _CW + col, jnp.int32(2**30))
    idx_ref[0, 0, :] = jnp.min(key, axis=1)

    @pl.when(i == 0)
    def _():
        acc_ref[...] = jnp.zeros((1, 1), jnp.float32)

    acc_ref[...] += jnp.sum(m).reshape(1, 1)


def kernel(z, weight):
    B, T, D = z.shape
    N = B * T
    flat = z.reshape(N, D)
    nb = N // _BN

    a = jnp.sum(flat ** 2, axis=1, keepdims=True)
    b = jnp.sum(weight ** 2, axis=1).reshape(1, _K)

    idx3, acc = pl.pallas_call(
        _argmin_body,
        grid=(nb,),
        in_specs=[
            pl.BlockSpec((_BN, D), lambda i: (i, 0)),
            pl.BlockSpec((_K, D), lambda i: (0, 0)),
            pl.BlockSpec((_BN, 1), lambda i: (i, 0)),
            pl.BlockSpec((1, _K), lambda i: (0, 0)),
        ],
        out_specs=[
            pl.BlockSpec((1, 1, _BN), lambda i: (i, 0, 0)),
            pl.BlockSpec((1, 1), lambda i: (0, 0)),
        ],
        out_shape=[
            jax.ShapeDtypeStruct((nb, 1, _BN), jnp.int32),
            jax.ShapeDtypeStruct((1, 1), jnp.float32),
        ],
    )(flat, weight, a, b)

    idx = idx3.reshape(N)
    loss = (acc[0, 0] / (N * D)) * (1.0 + _COMMIT)

    quantized_st = _sc_gather(weight, idx).reshape(B, T, D)
    return quantized_st, loss, idx.reshape(B, T)

# --- scband reference (transcript-rebuilt; emitter-appended) ---
"""Pipeline reference for scband-vqembedding-23038204575870 (READ-ONLY COPY).

The authoritative reference and input builder live on the scoring server;
editing this copy changes nothing except your own understanding.
"""

import jax, jax.numpy as jnp
import numpy as np

NUM_EMBEDDINGS = 8192
EMBEDDING_DIM = 256
COMMITMENT_COST = 0.25


def setup_inputs(seed: int = 0) -> dict:
    key = jax.random.key(seed)
    k1, k2 = jax.random.split(key)
    z = jax.random.normal(k1, (8, 1024, EMBEDDING_DIM), dtype=jnp.float32)
    # nn.Embedding weight initialized uniform(-1/num_embeddings, 1/num_embeddings)
    weight = jax.random.uniform(
        k2, (NUM_EMBEDDINGS, EMBEDDING_DIM), dtype=jnp.float32,
        minval=-1.0 / NUM_EMBEDDINGS, maxval=1.0 / NUM_EMBEDDINGS)
    return {"z": z, "weight": weight}


def reference(z, weight):
    B, T, D = z.shape
    flat = z.reshape(-1, D)
    # squared L2 distances to every codebook entry: ||z||^2 + ||e||^2 - 2 z.e
    dists = (jnp.sum(flat ** 2, axis=1, keepdims=True)
             + jnp.sum(weight ** 2, axis=1)[None, :]
             - 2.0 * flat @ weight.T)
    encoding_indices = jnp.argmin(dists, axis=1)
    quantized = jnp.take(weight, encoding_indices, axis=0).reshape(B, T, D)
    # VQ-VAE losses
    e_latent_loss = jnp.mean((jax.lax.stop_gradient(quantized) - z) ** 2)
    q_latent_loss = jnp.mean((quantized - jax.lax.stop_gradient(z)) ** 2)
    loss = q_latent_loss + COMMITMENT_COST * e_latent_loss
    # straight-through estimator
    quantized_st = z + jax.lax.stop_gradient(quantized - z)
    return quantized_st, loss, encoding_indices.reshape(B, T)

if __name__ == "__main__":
    import jax
    _d = setup_inputs()
    print(jax.jit(kernel)(*tuple(_d.values())))

</pallas_src>

<mosaic_0001>
#map = affine_map<(d0, d1) -> (0, 0)>
#map1 = affine_map<(d0, d1) -> (0, 0, 0)>
module attributes {stable_mosaic.version = 14 : i64} {
  func.func @_gather_body(%arg0: i32, %arg1: i32, %arg2: memref<8192x256xf32, #tpu.memory_space<hbm>>, %arg3: memref<32x2x128xi32, #tpu.memory_space<hbm>>, %arg4: memref<8192x256xf32, #tpu.memory_space<hbm>>, %arg5: memref<2x128xi32, #tpu.memory_space<vmem>>, %arg6: memref<2x128x256xf32, #tpu.memory_space<vmem>>, %arg7: memref<!tpu.dma_semaphore, #tpu.memory_space<semaphore_mem>>) attributes {dimension_semantics = [#tpu.dimension_semantics<core_parallel>, #tpu.dimension_semantics<subcore_parallel>], iteration_bounds = array<i64: 2, 16>, scalar_prefetch = 0 : i64, scratch_operands = 3 : i64, tpu.core_type = #tpu.core_type<sc_vector_subcore>, window_params = [{transform_indices = #map}, {transform_indices = #map1}, {transform_indices = #map}]} {
    %mul3A = arith.constant 2 : i32
    %mul3A_0 = arith.muli %arg1, %mul3A : i32
    %add3A = arith.addi %mul3A_0, %arg0 : i32
    "tpu.region"() ({
      %run_scoped3A_60 = tpu.sem_alloc : memref<!tpu.dma_semaphore, #tpu.memory_space<semaphore_mem>>
      %dma_start3A_61 = arith.constant 0 : i32
      %dma_start3A_62 = arith.constant 0 : i32
      %dma_start3A_63 = tpu.memref_slice %arg3[%add3A, %dma_start3A_61, %dma_start3A_62] : memref<32x2x128xi32, #tpu.memory_space<hbm>> -> memref<1x2x128xi32, #tpu.memory_space<hbm>>
      %dma_start3A_64 = tpu.memref_squeeze %dma_start3A_63 : memref<1x2x128xi32, #tpu.memory_space<hbm>> -> memref<2x128xi32, #tpu.memory_space<hbm>>
      %dma_start3A_65 = arith.constant 0 : i32
      %dma_start3A_66 = arith.constant 0 : i32
      %dma_start3A_67 = tpu.memref_slice %arg3[%add3A, %dma_start3A_65, %dma_start3A_66] : memref<32x2x128xi32, #tpu.memory_space<hbm>> -> memref<1x2x128xi32, #tpu.memory_space<hbm>>
      %dma_start3A_68 = tpu.memref_squeeze %dma_start3A_67 : memref<1x2x128xi32, #tpu.memory_space<hbm>> -> memref<2x128xi32, #tpu.memory_space<hbm>>
      tpu.enqueue_dma source(%dma_start3A_68 : memref<2x128xi32, #tpu.memory_space<hbm>>) target(%arg5 : memref<2x128xi32, #tpu.memory_space<vmem>>) target_semaphore(%run_scoped3A_60 : memref<!tpu.dma_semaphore, #tpu.memory_space<semaphore_mem>>)
      %dma_wait3A_69 = arith.constant 0 : i32
      %dma_wait3A_70 = arith.constant 0 : i32
      %dma_wait3A_71 = tpu.memref_slice %arg3[%add3A, %dma_wait3A_69, %dma_wait3A_70] : memref<32x2x128xi32, #tpu.memory_space<hbm>> -> memref<1x2x128xi32, #tpu.memory_space<hbm>>
      %dma_wait3A_72 = tpu.memref_squeeze %dma_wait3A_71 : memref<1x2x128xi32, #tpu.memory_space<hbm>> -> memref<2x128xi32, #tpu.memory_space<hbm>>
      %dma_wait3A_73 = arith.constant 0 : i32
      %dma_wait3A_74 = arith.constant 0 : i32
      %dma_wait3A_75 = tpu.memref_slice %arg3[%add3A, %dma_wait3A_73, %dma_wait3A_74] : memref<32x2x128xi32, #tpu.memory_space<hbm>> -> memref<1x2x128xi32, #tpu.memory_space<hbm>>
      %dma_wait3A_76 = tpu.memref_squeeze %dma_wait3A_75 : memref<1x2x128xi32, #tpu.memory_space<hbm>> -> memref<2x128xi32, #tpu.memory_space<hbm>>
      tpu.wait_dma2 semaphore(%run_scoped3A_60 : memref<!tpu.dma_semaphore, #tpu.memory_space<semaphore_mem>>) src(%dma_wait3A_76 : memref<2x128xi32, #tpu.memory_space<hbm>>) dst(%arg5 : memref<2x128xi32, #tpu.memory_space<vmem>>)
      tpu.yield
    }) : () -> ()
    %dma_start3A = arith.constant 0 : i32
    %dma_start3A_1 = arith.constant 0 : i32
    %dma_start3A_2 = arith.constant 0 : i32
    %dma_start3A_3 = arith.constant 0 : i32
    %dma_start3A_4 = tpu.memref_slice %arg6[%dma_start3A_1, %dma_start3A_2, %dma_start3A_3] : memref<2x128x256xf32, #tpu.memory_space<vmem>> -> memref<1x128x256xf32, #tpu.memory_space<vmem>>
    %dma_start3A_5 = tpu.memref_squeeze %dma_start3A_4 : memref<1x128x256xf32, #tpu.memory_space<vmem>> -> memref<128x256xf32, #tpu.memory_space<vmem>>
    %dma_start3A_6 = arith.constant 0 : i32
    %dma_start3A_7 = tpu.memref_slice %arg5[%dma_start3A, %dma_start3A_6] : memref<2x128xi32, #tpu.memory_space<vmem>> -> memref<1x128xi32, #tpu.memory_space<vmem>>
    %dma_start3A_8 = tpu.memref_squeeze %dma_start3A_7 : memref<1x128xi32, #tpu.memory_space<vmem>> -> memref<128xi32, #tpu.memory_space<vmem>>
    %dma_start3A_9 = arith.constant 0 : i32
    %dma_start3A_10 = arith.constant 0 : i32
    %dma_start3A_11 = tpu.memref_slice %arg2[%dma_start3A_9, %dma_start3A_10] : memref<8192x256xf32, #tpu.memory_space<hbm>> -> memref<8192x256xf32, #tpu.memory_space<hbm>>
    tpu.enqueue_indirect_dma source(%dma_start3A_11 : memref<8192x256xf32, #tpu.memory_space<hbm>>) target(%dma_start3A_5 : memref<128x256xf32, #tpu.memory_space<vmem>>) offsets(%dma_start3A_8 : memref<128xi32, #tpu.memory_space<vmem>>) semaphore(%arg7 : memref<!tpu.dma_semaphore, #tpu.memory_space<semaphore_mem>>)
    %dma_start3A_12 = arith.constant 1 : i32
    %dma_start3A_13 = arith.constant 1 : i32
    %dma_start3A_14 = arith.constant 0 : i32
    %dma_start3A_15 = arith.constant 0 : i32
    %dma_start3A_16 = tpu.memref_slice %arg6[%dma_start3A_13, %dma_start3A_14, %dma_start3A_15] : memref<2x128x256xf32, #tpu.memory_space<vmem>> -> memref<1x128x256xf32, #tpu.memory_space<vmem>>
    %dma_start3A_17 = tpu.memref_squeeze %dma_start3A_16 : memref<1x128x256xf32, #tpu.memory_space<vmem>> -> memref<128x256xf32, #tpu.memory_space<vmem>>
    %dma_start3A_18 = arith.constant 0 : i32
    %dma_start3A_19 = tpu.memref_slice %arg5[%dma_start3A_12, %dma_start3A_18] : memref<2x128xi32, #tpu.memory_space<vmem>> -> memref<1x128xi32, #tpu.memory_space<vmem>>
    %dma_start3A_20 = tpu.memref_squeeze %dma_start3A_19 : memref<1x128xi32, #tpu.memory_space<vmem>> -> memref<128xi32, #tpu.memory_space<vmem>>
    %dma_start3A_21 = arith.constant 0 : i32
    %dma_start3A_22 = arith.constant 0 : i32
    %dma_start3A_23 = tpu.memref_slice %arg2[%dma_start3A_21, %dma_start3A_22] : memref<8192x256xf32, #tpu.memory_space<hbm>> -> memref<8192x256xf32, #tpu.memory_space<hbm>>
    tpu.enqueue_indirect_dma source(%dma_start3A_23 : memref<8192x256xf32, #tpu.memory_space<hbm>>) target(%dma_start3A_17 : memref<128x256xf32, #tpu.memory_space<vmem>>) offsets(%dma_start3A_20 : memref<128xi32, #tpu.memory_space<vmem>>) semaphore(%arg7 : memref<!tpu.dma_semaphore, #tpu.memory_space<semaphore_mem>>)
    %dma_wait3A = arith.constant 0 : i32
    %dma_wait3A_24 = arith.constant 0 : i32
    %dma_wait3A_25 = arith.constant 0 : i32
    %dma_wait3A_26 = arith.constant 0 : i32
    %dma_wait3A_27 = tpu.memref_slice %arg6[%dma_wait3A_24, %dma_wait3A_25, %dma_wait3A_26] : memref<2x128x256xf32, #tpu.memory_space<vmem>> -> memref<1x128x256xf32, #tpu.memory_space<vmem>>
    %dma_wait3A_28 = tpu.memref_squeeze %dma_wait3A_27 : memref<1x128x256xf32, #tpu.memory_space<vmem>> -> memref<128x256xf32, #tpu.memory_space<vmem>>
    %dma_wait3A_29 = arith.constant 0 : i32
    %dma_wait3A_30 = tpu.memref_slice %arg5[%dma_wait3A, %dma_wait3A_29] : memref<2x128xi32, #tpu.memory_space<vmem>> -> memref<1x128xi32, #tpu.memory_space<vmem>>
    %dma_wait3A_31 = tpu.memref_squeeze %dma_wait3A_30 : memref<1x128xi32, #tpu.memory_space<vmem>> -> memref<128xi32, #tpu.memory_space<vmem>>
    %dma_wait3A_32 = arith.constant 0 : i32
    %dma_wait3A_33 = arith.constant 0 : i32
    %dma_wait3A_34 = tpu.memref_slice %arg2[%dma_wait3A_32, %dma_wait3A_33] : memref<8192x256xf32, #tpu.memory_space<hbm>> -> memref<8192x256xf32, #tpu.memory_space<hbm>>
    tpu.wait_indirect_dma semaphore(%arg7 : memref<!tpu.dma_semaphore, #tpu.memory_space<semaphore_mem>>) src(%dma_wait3A_34 : memref<8192x256xf32, #tpu.memory_space<hbm>>) dst(%dma_wait3A_28 : memref<128x256xf32, #tpu.memory_space<vmem>>)
    %mul3A_35 = arith.constant 2 : i32
    %mul3A_36 = arith.muli %add3A, %mul3A_35 : i32
    %add3A_37 = arith.constant 0 : i32
    %add3A_38 = arith.addi %mul3A_36, %add3A_37 : i32
    %mul3A_39 = arith.constant 128 : i32
    %mul3A_40 = arith.muli %add3A_38, %mul3A_39 : i32
    %run_scoped3A = arith.constant 0 : i32
    "tpu.region"() ({
      %run_scoped3A_60 = tpu.sem_alloc : memref<!tpu.dma_semaphore, #tpu.memory_space<semaphore_mem>>
      %dma_start3A_61 = arith.constant 0 : i32
      %dma_start3A_62 = arith.constant 0 : i32
      %dma_start3A_63 = tpu.memref_slice %arg6[%run_scoped3A, %dma_start3A_61, %dma_start3A_62] : memref<2x128x256xf32, #tpu.memory_space<vmem>> -> memref<1x128x256xf32, #tpu.memory_space<vmem>>
      %dma_start3A_64 = tpu.memref_squeeze %dma_start3A_63 : memref<1x128x256xf32, #tpu.memory_space<vmem>> -> memref<128x256xf32, #tpu.memory_space<vmem>>
      %dma_start3A_65 = arith.constant 0 : i32
      %dma_start3A_66 = tpu.memref_slice %arg4[%mul3A_40, %dma_start3A_65] : memref<8192x256xf32, #tpu.memory_space<hbm>> -> memref<128x256xf32, #tpu.memory_space<hbm>>
      %dma_start3A_67 = arith.constant 0 : i32
      %dma_start3A_68 = tpu.memref_slice %arg4[%mul3A_40, %dma_start3A_67] : memref<8192x256xf32, #tpu.memory_space<hbm>> -> memref<128x256xf32, #tpu.memory_space<hbm>>
      %dma_start3A_69 = arith.constant 0 : i32
      %dma_start3A_70 = arith.constant 0 : i32
      %dma_start3A_71 = tpu.memref_slice %arg6[%run_scoped3A, %dma_start3A_69, %dma_start3A_70] : memref<2x128x256xf32, #tpu.memory_space<vmem>> -> memref<1x128x256xf32, #tpu.memory_space<vmem>>
      %dma_start3A_72 = tpu.memref_squeeze %dma_start3A_71 : memref<1x128x256xf32, #tpu.memory_space<vmem>> -> memref<128x256xf32, #tpu.memory_space<vmem>>
      tpu.enqueue_dma source(%dma_start3A_72 : memref<128x256xf32, #tpu.memory_space<vmem>>) target(%dma_start3A_68 : memref<128x256xf32, #tpu.memory_space<hbm>>) target_semaphore(%run_scoped3A_60 : memref<!tpu.dma_semaphore, #tpu.memory_space<semaphore_mem>>)
      %dma_wait3A_73 = arith.constant 0 : i32
      %dma_wait3A_74 = arith.constant 0 : i32
      %dma_wait3A_75 = tpu.memref_slice %arg6[%run_scoped3A, %dma_wait3A_73, %dma_wait3A_74] : memref<2x128x256xf32, #tpu.memory_space<vmem>> -> memref<1x128x256xf32, #tpu.memory_space<vmem>>
      %dma_wait3A_76 = tpu.memref_squeeze %dma_wait3A_75 : memref<1x128x256xf32, #tpu.memory_space<vmem>> -> memref<128x256xf32, #tpu.memory_space<vmem>>
      %dma_wait3A_77 = arith.constant 0 : i32
      %dma_wait3A_78 = tpu.memref_slice %arg4[%mul3A_40, %dma_wait3A_77] : memref<8192x256xf32, #tpu.memory_space<hbm>> -> memref<128x256xf32, #tpu.memory_space<hbm>>
      %dma_wait3A_79 = arith.constant 0 : i32
      %dma_wait3A_80 = tpu.memref_slice %arg4[%mul3A_40, %dma_wait3A_79] : memref<8192x256xf32, #tpu.memory_space<hbm>> -> memref<128x256xf32, #tpu.memory_space<hbm>>
      %dma_wait3A_81 = arith.constant 0 : i32
      %dma_wait3A_82 = arith.constant 0 : i32
      %dma_wait3A_83 = tpu.memref_slice %arg6[%run_scoped3A, %dma_wait3A_81, %dma_wait3A_82] : memref<2x128x256xf32, #tpu.memory_space<vmem>> -> memref<1x128x256xf32, #tpu.memory_space<vmem>>
      %dma_wait3A_84 = tpu.memref_squeeze %dma_wait3A_83 : memref<1x128x256xf32, #tpu.memory_space<vmem>> -> memref<128x256xf32, #tpu.memory_space<vmem>>
      tpu.wait_dma2 semaphore(%run_scoped3A_60 : memref<!tpu.dma_semaphore, #tpu.memory_space<semaphore_mem>>) src(%dma_wait3A_84 : memref<128x256xf32, #tpu.memory_space<vmem>>) dst(%dma_wait3A_80 : memref<128x256xf32, #tpu.memory_space<hbm>>)
      tpu.yield
    }) : () -> ()
    %dma_wait3A_41 = arith.constant 1 : i32
    %dma_wait3A_42 = arith.constant 1 : i32
    %dma_wait3A_43 = arith.constant 0 : i32
    %dma_wait3A_44 = arith.constant 0 : i32
    %dma_wait3A_45 = tpu.memref_slice %arg6[%dma_wait3A_42, %dma_wait3A_43, %dma_wait3A_44] : memref<2x128x256xf32, #tpu.memory_space<vmem>> -> memref<1x128x256xf32, #tpu.memory_space<vmem>>
    %dma_wait3A_46 = tpu.memref_squeeze %dma_wait3A_45 : memref<1x128x256xf32, #tpu.memory_space<vmem>> -> memref<128x256xf32, #tpu.memory_space<vmem>>
    %dma_wait3A_47 = arith.constant 0 : i32
    %dma_wait3A_48 = tpu.memref_slice %arg5[%dma_wait3A_41, %dma_wait3A_47] : memref<2x128xi32, #tpu.memory_space<vmem>> -> memref<1x128xi32, #tpu.memory_space<vmem>>
    %dma_wait3A_49 = tpu.memref_squeeze %dma_wait3A_48 : memref<1x128xi32, #tpu.memory_space<vmem>> -> memref<128xi32, #tpu.memory_space<vmem>>
    %dma_wait3A_50 = arith.constant 0 : i32
    %dma_wait3A_51 = arith.constant 0 : i32
    %dma_wait3A_52 = tpu.memref_slice %arg2[%dma_wait3A_50, %dma_wait3A_51] : memref<8192x256xf32, #tpu.memory_space<hbm>> -> memref<8192x256xf32, #tpu.memory_space<hbm>>
    tpu.wait_indirect_dma semaphore(%arg7 : memref<!tpu.dma_semaphore, #tpu.memory_space<semaphore_mem>>) src(%dma_wait3A_52 : memref<8192x256xf32, #tpu.memory_space<hbm>>) dst(%dma_wait3A_46 : memref<128x256xf32, #tpu.memory_space<vmem>>)
    %mul3A_53 = arith.constant 2 : i32
    %mul3A_54 = arith.muli %add3A, %mul3A_53 : i32
    %add3A_55 = arith.constant 1 : i32
    %add3A_56 = arith.addi %mul3A_54, %add3A_55 : i32
    %mul3A_57 = arith.constant 128 : i32
    %mul3A_58 = arith.muli %add3A_56, %mul3A_57 : i32
    %run_scoped3A_59 = arith.constant 1 : i32
    "tpu.region"() ({
      %run_scoped3A_60 = tpu.sem_alloc : memref<!tpu.dma_semaphore, #tpu.memory_space<semaphore_mem>>
      %dma_start3A_61 = arith.constant 0 : i32
      %dma_start3A_62 = arith.constant 0 : i32
      %dma_start3A_63 = tpu.memref_slice %arg6[%run_scoped3A_59, %dma_start3A_61, %dma_start3A_62] : memref<2x128x256xf32, #tpu.memory_space<vmem>> -> memref<1x128x256xf32, #tpu.memory_space<vmem>>
      %dma_start3A_64 = tpu.memref_squeeze %dma_start3A_63 : memref<1x128x256xf32, #tpu.memory_space<vmem>> -> memref<128x256xf32, #tpu.memory_space<vmem>>
      %dma_start3A_65 = arith.constant 0 : i32
      %dma_start3A_66 = tpu.memref_slice %arg4[%mul3A_58, %dma_start3A_65] : memref<8192x256xf32, #tpu.memory_space<hbm>> -> memref<128x256xf32, #tpu.memory_space<hbm>>
      %dma_start3A_67 = arith.constant 0 : i32
      %dma_start3A_68 = tpu.memref_slice %arg4[%mul3A_58, %dma_start3A_67] : memref<8192x256xf32, #tpu.memory_space<hbm>> -> memref<128x256xf32, #tpu.memory_space<hbm>>
      %dma_start3A_69 = arith.constant 0 : i32
      %dma_start3A_70 = arith.constant 0 : i32
      %dma_start3A_71 = tpu.memref_slice %arg6[%run_scoped3A_59, %dma_start3A_69, %dma_start3A_70] : memref<2x128x256xf32, #tpu.memory_space<vmem>> -> memref<1x128x256xf32, #tpu.memory_space<vmem>>
      %dma_start3A_72 = tpu.memref_squeeze %dma_start3A_71 : memref<1x128x256xf32, #tpu.memory_space<vmem>> -> memref<128x256xf32, #tpu.memory_space<vmem>>
      tpu.enqueue_dma source(%dma_start3A_72 : memref<128x256xf32, #tpu.memory_space<vmem>>) target(%dma_start3A_68 : memref<128x256xf32, #tpu.memory_space<hbm>>) target_semaphore(%run_scoped3A_60 : memref<!tpu.dma_semaphore, #tpu.memory_space<semaphore_mem>>)
      %dma_wait3A_73 = arith.constant 0 : i32
      %dma_wait3A_74 = arith.constant 0 : i32
      %dma_wait3A_75 = tpu.memref_slice %arg6[%run_scoped3A_59, %dma_wait3A_73, %dma_wait3A_74] : memref<2x128x256xf32, #tpu.memory_space<vmem>> -> memref<1x128x256xf32, #tpu.memory_space<vmem>>
      %dma_wait3A_76 = tpu.memref_squeeze %dma_wait3A_75 : memref<1x128x256xf32, #tpu.memory_space<vmem>> -> memref<128x256xf32, #tpu.memory_space<vmem>>
      %dma_wait3A_77 = arith.constant 0 : i32
      %dma_wait3A_78 = tpu.memref_slice %arg4[%mul3A_58, %dma_wait3A_77] : memref<8192x256xf32, #tpu.memory_space<hbm>> -> memref<128x256xf32, #tpu.memory_space<hbm>>
      %dma_wait3A_79 = arith.constant 0 : i32
      %dma_wait3A_80 = tpu.memref_slice %arg4[%mul3A_58, %dma_wait3A_79] : memref<8192x256xf32, #tpu.memory_space<hbm>> -> memref<128x256xf32, #tpu.memory_space<hbm>>
      %dma_wait3A_81 = arith.constant 0 : i32
      %dma_wait3A_82 = arith.constant 0 : i32
      %dma_wait3A_83 = tpu.memref_slice %arg6[%run_scoped3A_59, %dma_wait3A_81, %dma_wait3A_82] : memref<2x128x256xf32, #tpu.memory_space<vmem>> -> memref<1x128x256xf32, #tpu.memory_space<vmem>>
      %dma_wait3A_84 = tpu.memref_squeeze %dma_wait3A_83 : memref<1x128x256xf32, #tpu.memory_space<vmem>> -> memref<128x256xf32, #tpu.memory_space<vmem>>
      tpu.wait_dma2 semaphore(%run_scoped3A_60 : memref<!tpu.dma_semaphore, #tpu.memory_space<semaphore_mem>>) src(%dma_wait3A_84 : memref<128x256xf32, #tpu.memory_space<vmem>>) dst(%dma_wait3A_80 : memref<128x256xf32, #tpu.memory_space<hbm>>)
      tpu.yield
    }) : () -> ()
    return
  }
}

module attributes {stable_mosaic.version = 14 : i64} {
  func.func @_argmin_body(%arg0: i32, %arg1: memref<512x256xf32, #tpu.memory_space<vmem>>, %arg2: memref<8192x256xf32, #tpu.memory_space<vmem>>, %arg3: memref<512x1xf32, #tpu.memory_space<vmem>>, %arg4: memref<1x8192xf32, #tpu.memory_space<vmem>>, %arg5: memref<1x1x512xi32, #tpu.memory_space<vmem>>, %arg6: memref<1x1xf32, #tpu.memory_space<vmem>>) attributes {dimension_semantics = [#tpu.dimension_semantics<arbitrary>], iteration_bounds = array<i64: 16>, scalar_prefetch = 0 : i64, scratch_operands = 0 : i64, tpu.core_type = #tpu.core_type<tc>, window_params = [{transform_indices = @transform_0, window_bounds = array<i64: 512, 256>}, {pipeline_mode = #tpu.pipeline_mode<synchronous>, transform_indices = @transform_1, window_bounds = array<i64: 8192, 256>}, {transform_indices = @transform_2, window_bounds = array<i64: 512, 1>}, {pipeline_mode = #tpu.pipeline_mode<synchronous>, transform_indices = @transform_3, window_bounds = array<i64: 1, 8192>}, {transform_indices = @transform_4, window_bounds = array<i64: 1, 1, 512>}, {pipeline_mode = #tpu.pipeline_mode<synchronous>, transform_indices = @transform_5, window_bounds = array<i64: 1, 1>}]} {
    %get3A = arith.constant 0 : index
    %get3A_0 = arith.constant 0 : index
    %get3A_1 = vector.load %arg1[%get3A, %get3A_0] : memref<512x256xf32, #tpu.memory_space<vmem>>, vector<512x256xf32>
    %mul3A = arith.constant -2.000000e+00 : f32
    %mul3A_2 = vector.broadcast %mul3A : f32 to vector<512x256xf32>
    %mul3A_3 = arith.mulf %get3A_1, %mul3A_2 : vector<512x256xf32>
    %get3A_4 = arith.constant 0 : index
    %get3A_5 = arith.constant 0 : index
    %get3A_6 = vector.load %arg3[%get3A_4, %get3A_5] : memref<512x1xf32, #tpu.memory_space<vmem>>, vector<512x1xf32>
    %broadcast_in_dim3A = arith.constant 0x7F800000 : f32
    %broadcast_in_dim3A_7 = vector.broadcast %broadcast_in_dim3A : f32 to vector<512x256xf32>
    %broadcast_in_dim3A_8 = arith.constant 0 : i32
    %broadcast_in_dim3A_9 = vector.broadcast %broadcast_in_dim3A_8 : i32 to vector<512x256xi32>
    %get3A_10 = arith.constant 0 : index
    %get3A_11 = arith.constant 0 : index
    %get3A_12 = vector.load %arg2[%get3A_10, %get3A_11] : memref<8192x256xf32, #tpu.memory_space<vmem>>, vector<256x256xf32>
    %dot_general3A = arith.constant dense<0.000000e+00> : vector<512x256xf32>
    %dot_general3A_13 = tpu.matmul %mul3A_3, %get3A_12, %dot_general3A {dimension_numbers = #tpu.dot_dimension_numbers<[1], [1], [0], [0], [0, 0, 1, 0], [], []>, transpose_lhs_hint = false} : vector<512x256xf32>, vector<256x256xf32>, vector<512x256xf32> -> vector<512x256xf32>
    %get3A_14 = arith.constant 0 : index
    %get3A_15 = arith.constant 0 : index
    %get3A_16 = vector.load %arg4[%get3A_14, %get3A_15] : memref<1x8192xf32, #tpu.memory_space<vmem>>, vector<1x256xf32>
    %add3A = vector.broadcast %get3A_6 : vector<512x1xf32> to vector<512x256xf32>
    %add3A_17 = vector.broadcast %get3A_16 : vector<1x256xf32> to vector<512x256xf32>
    %add3A_18 = arith.addf %add3A, %add3A_17 : vector<512x256xf32>
    %add3A_19 = arith.addf %add3A_18, %dot_general3A_13 : vector<512x256xf32>
    %lt3A = arith.cmpf olt, %add3A_19, %broadcast_in_dim3A_7 : vector<512x256xf32>
    %jit3A = arith.constant 0 : i32
    %broadcast_in_dim3A_20 = vector.broadcast %jit3A : i32 to vector<512x256xi32>
    %select_n3A = arith.select %lt3A, %broadcast_in_dim3A_20, %broadcast_in_dim3A_9 : vector<512x256xi1>, vector<512x256xi32>
    %min3A = arith.minimumf %broadcast_in_dim3A_7, %add3A_19 : vector<512x256xf32>
    %get3A_21 = arith.constant 256 : index
    %get3A_22 = arith.constant 0 : index
    %get3A_23 = vector.load %arg2[%get3A_21, %get3A_22] : memref<8192x256xf32, #tpu.memory_space<vmem>>, vector<256x256xf32>
    %dot_general3A_24 = arith.constant dense<0.000000e+00> : vector<512x256xf32>
    %dot_general3A_25 = tpu.matmul %mul3A_3, %get3A_23, %dot_general3A_24 {dimension_numbers = #tpu.dot_dimension_numbers<[1], [1], [0], [0], [0, 0, 1, 0], [], []>, transpose_lhs_hint = false} : vector<512x256xf32>, vector<256x256xf32>, vector<512x256xf32> -> vector<512x256xf32>
    %get3A_26 = arith.constant 0 : index
    %get3A_27 = arith.constant 256 : index
    %get3A_28 = vector.load %arg4[%get3A_26, %get3A_27] : memref<1x8192xf32, #tpu.memory_space<vmem>>, vector<1x256xf32>
    %add3A_29 = vector.broadcast %get3A_6 : vector<512x1xf32> to vector<512x256xf32>
    %add3A_30 = vector.broadcast %get3A_28 : vector<1x256xf32> to vector<512x256xf32>
    %add3A_31 = arith.addf %add3A_29, %add3A_30 : vector<512x256xf32>
    %add3A_32 = arith.addf %add3A_31, %dot_general3A_25 : vector<512x256xf32>
    %lt3A_33 = arith.cmpf olt, %add3A_32, %min3A : vector<512x256xf32>
    %jit3A_34 = arith.constant 1 : i32
    %broadcast_in_dim3A_35 = vector.broadcast %jit3A_34 : i32 to vector<512x256xi32>
    %select_n3A_36 = arith.select %lt3A_33, %broadcast_in_dim3A_35, %select_n3A : vector<512x256xi1>, vector<512x256xi32>
    %min3A_37 = arith.minimumf %min3A, %add3A_32 : vector<512x256xf32>
    %get3A_38 = arith.constant 512 : index
    %get3A_39 = arith.constant 0 : index
    %get3A_40 = vector.load %arg2[%get3A_38, %get3A_39] : memref<8192x256xf32, #tpu.memory_space<vmem>>, vector<256x256xf32>
    %dot_general3A_41 = arith.constant dense<0.000000e+00> : vector<512x256xf32>
    %dot_general3A_42 = tpu.matmul %mul3A_3, %get3A_40, %dot_general3A_41 {dimension_numbers = #tpu.dot_dimension_numbers<[1], [1], [0], [0], [0, 0, 1, 0], [], []>, transpose_lhs_hint = false} : vector<512x256xf32>, vector<256x256xf32>, vector<512x256xf32> -> vector<512x256xf32>
    %get3A_43 = arith.constant 0 : index
    %get3A_44 = arith.constant 512 : index
    %get3A_45 = vector.load %arg4[%get3A_43, %get3A_44] : memref<1x8192xf32, #tpu.memory_space<vmem>>, vector<1x256xf32>
    %add3A_46 = vector.broadcast %get3A_6 : vector<512x1xf32> to vector<512x256xf32>
    %add3A_47 = vector.broadcast %get3A_45 : vector<1x256xf32> to vector<512x256xf32>
    %add3A_48 = arith.addf %add3A_46, %add3A_47 : vector<512x256xf32>
    %add3A_49 = arith.addf %add3A_48, %dot_general3A_42 : vector<512x256xf32>
    %lt3A_50 = arith.cmpf olt, %add3A_49, %min3A_37 : vector<512x256xf32>
    %jit3A_51 = arith.constant 2 : i32
    %broadcast_in_dim3A_52 = vector.broadcast %jit3A_51 : i32 to vector<512x256xi32>
    %select_n3A_53 = arith.select %lt3A_50, %broadcast_in_dim3A_52, %select_n3A_36 : vector<512x256xi1>, vector<512x256xi32>
    %min3A_54 = arith.minimumf %min3A_37, %add3A_49 : vector<512x256xf32>
    %get3A_55 = arith.constant 768 : index
    %get3A_56 = arith.constant 0 : index
    %get3A_57 = vector.load %arg2[%get3A_55, %get3A_56] : memref<8192x256xf32, #tpu.memory_space<vmem>>, vector<256x256xf32>
    %dot_general3A_58 = arith.constant dense<0.000000e+00> : vector<512x256xf32>
    %dot_general3A_59 = tpu.matmul %mul3A_3, %get3A_57, %dot_general3A_58 {dimension_numbers = #tpu.dot_dimension_numbers<[1], [1], [0], [0], [0, 0, 1, 0], [], []>, transpose_lhs_hint = false} : vector<512x256xf32>, vector<256x256xf32>, vector<512x256xf32> -> vector<512x256xf32>
    %get3A_60 = arith.constant 0 : index
    %get3A_61 = arith.constant 768 : index
    %get3A_62 = vector.load %arg4[%get3A_60, %get3A_61] : memref<1x8192xf32, #tpu.memory_space<vmem>>, vector<1x256xf32>
    %add3A_63 = vector.broadcast %get3A_6 : vector<512x1xf32> to vector<512x256xf32>
    %add3A_64 = vector.broadcast %get3A_62 : vector<1x256xf32> to vector<512x256xf32>
    %add3A_65 = arith.addf %add3A_63, %add3A_64 : vector<512x256xf32>
    %add3A_66 = arith.addf %add3A_65, %dot_general3A_59 : vector<512x256xf32>
    %lt3A_67 = arith.cmpf olt, %add3A_66, %min3A_54 : vector<512x256xf32>
    %jit3A_68 = arith.constant 3 : i32
    %broadcast_in_dim3A_69 = vector.broadcast %jit3A_68 : i32 to vector<512x256xi32>
    %select_n3A_70 = arith.select %lt3A_67, %broadcast_in_dim3A_69, %select_n3A_53 : vector<512x256xi1>, vector<512x256xi32>
    %min3A_71 = arith.minimumf %min3A_54, %add3A_66 : vector<512x256xf32>
    %get3A_72 = arith.constant 1024 : index
    %get3A_73 = arith.constant 0 : index
    %get3A_74 = vector.load %arg2[%get3A_72, %get3A_73] : memref<8192x256xf32, #tpu.memory_space<vmem>>, vector<256x256xf32>
    %dot_general3A_75 = arith.constant dense<0.000000e+00> : vector<512x256xf32>
    %dot_general3A_76 = tpu.matmul %mul3A_3, %get3A_74, %dot_general3A_75 {dimension_numbers = #tpu.dot_dimension_numbers<[1], [1], [0], [0], [0, 0, 1, 0], [], []>, transpose_lhs_hint = false} : vector<512x256xf32>, vector<256x256xf32>, vector<512x256xf32> -> vector<512x256xf32>
    %get3A_77 = arith.constant 0 : index
    %get3A_78 = arith.constant 1024 : index
    %get3A_79 = vector.load %arg4[%get3A_77, %get3A_78] : memref<1x8192xf32, #tpu.memory_space<vmem>>, vector<1x256xf32>
    %add3A_80 = vector.broadcast %get3A_6 : vector<512x1xf32> to vector<512x256xf32>
    %add3A_81 = vector.broadcast %get3A_79 : vector<1x256xf32> to vector<512x256xf32>
    %add3A_82 = arith.addf %add3A_80, %add3A_81 : vector<512x256xf32>
    %add3A_83 = arith.addf %add3A_82, %dot_general3A_76 : vector<512x256xf32>
    %lt3A_84 = arith.cmpf olt, %add3A_83, %min3A_71 : vector<512x256xf32>
    %jit3A_85 = arith.constant 4 : i32
    %broadcast_in_dim3A_86 = vector.broadcast %jit3A_85 : i32 to vector<512x256xi32>
    %select_n3A_87 = arith.select %lt3A_84, %broadcast_in_dim3A_86, %select_n3A_70 : vector<512x256xi1>, vector<512x256xi32>
    %min3A_88 = arith.minimumf %min3A_71, %add3A_83 : vector<512x256xf32>
    %get3A_89 = arith.constant 1280 : index
    %get3A_90 = arith.constant 0 : index
    %get3A_91 = vector.load %arg2[%get3A_89, %get3A_90] : memref<8192x256xf32, #tpu.memory_space<vmem>>, vector<256x256xf32>
    %dot_general3A_92 = arith.constant dense<0.000000e+00> : vector<512x256xf32>
    %dot_general3A_93 = tpu.matmul %mul3A_3, %get3A_91, %dot_general3A_92 {dimension_numbers = #tpu.dot_dimension_numbers<[1], [1], [0], [0], [0, 0, 1, 0], [], []>, transpose_lhs_hint = false} : vector<512x256xf32>, vector<256x256xf32>, vector<512x256xf32> -> vector<512x256xf32>
    %get3A_94 = arith.constant 0 : index
    %get3A_95 = arith.constant 1280 : index
    %get3A_96 = vector.load %arg4[%get3A_94, %get3A_95] : memref<1x8192xf32, #tpu.memory_space<vmem>>, vector<1x256xf32>
    %add3A_97 = vector.broadcast %get3A_6 : vector<512x1xf32> to vector<512x256xf32>
    %add3A_98 = vector.broadcast %get3A_96 : vector<1x256xf32> to vector<512x256xf32>
    %add3A_99 = arith.addf %add3A_97, %add3A_98 : vector<512x256xf32>
    %add3A_100 = arith.addf %add3A_99, %dot_general3A_93 : vector<512x256xf32>
    %lt3A_101 = arith.cmpf olt, %add3A_100, %min3A_88 : vector<512x256xf32>
    %jit3A_102 = arith.constant 5 : i32
    %broadcast_in_dim3A_103 = vector.broadcast %jit3A_102 : i32 to vector<512x256xi32>
    %select_n3A_104 = arith.select %lt3A_101, %broadcast_in_dim3A_103, %select_n3A_87 : vector<512x256xi1>, vector<512x256xi32>
    %min3A_105 = arith.minimumf %min3A_88, %add3A_100 : vector<512x256xf32>
    %get3A_106 = arith.constant 1536 : index
    %get3A_107 = arith.constant 0 : index
    %get3A_108 = vector.load %arg2[%get3A_106, %get3A_107] : memref<8192x256xf32, #tpu.memory_space<vmem>>, vector<256x256xf32>
    %dot_general3A_109 = arith.constant dense<0.000000e+00> : vector<512x256xf32>
    %dot_general3A_110 = tpu.matmul %mul3A_3, %get3A_108, %dot_general3A_109 {dimension_numbers = #tpu.dot_dimension_numbers<[1], [1], [0], [0], [0, 0, 1, 0], [], []>, transpose_lhs_hint = false} : vector<512x256xf32>, vector<256x256xf32>, vector<512x256xf32> -> vector<512x256xf32>
    %get3A_111 = arith.constant 0 : index
    %get3A_112 = arith.constant 1536 : index
    %get3A_113 = vector.load %arg4[%get3A_111, %get3A_112] : memref<1x8192xf32, #tpu.memory_space<vmem>>, vector<1x256xf32>
    %add3A_114 = vector.broadcast %get3A_6 : vector<512x1xf32> to vector<512x256xf32>
    %add3A_115 = vector.broadcast %get3A_113 : vector<1x256xf32> to vector<512x256xf32>
    %add3A_116 = arith.addf %add3A_114, %add3A_115 : vector<512x256xf32>
    %add3A_117 = arith.addf %add3A_116, %dot_general3A_110 : vector<512x256xf32>
    %lt3A_118 = arith.cmpf olt, %add3A_117, %min3A_105 : vector<512x256xf32>
    %jit3A_119 = arith.constant 6 : i32
    %broadcast_in_dim3A_120 = vector.broadcast %jit3A_119 : i32 to vector<512x256xi32>
    %select_n3A_121 = arith.select %lt3A_118, %broadcast_in_dim3A_120, %select_n3A_104 : vector<512x256xi1>, vector<512x256xi32>
    %min3A_122 = arith.minimumf %min3A_105, %add3A_117 : vector<512x256xf32>
    %get3A_123 = arith.constant 1792 : index
    %get3A_124 = arith.constant 0 : index
    %get3A_125 = vector.load %arg2[%get3A_123, %get3A_124] : memref<8192x256xf32, #tpu.memory_space<vmem>>, vector<256x256xf32>
    %dot_general3A_126 = arith.constant dense<0.000000e+00> : vector<512x256xf32>
    %dot_general3A_127 = tpu.matmul %mul3A_3, %get3A_125, %dot_general3A_126 {dimension_numbers = #tpu.dot_dimension_numbers<[1], [1], [0], [0], [0, 0, 1, 0], [], []>, transpose_lhs_hint = false} : vector<512x256xf32>, vector<256x256xf32>, vector<512x256xf32> -> vector<512x256xf32>
    %get3A_128 = arith.constant 0 : index
    %get3A_129 = arith.constant 1792 : index
    %get3A_130 = vector.load %arg4[%get3A_128, %get3A_129] : memref<1x8192xf32, #tpu.memory_space<vmem>>, vector<1x256xf32>
    %add3A_131 = vector.broadcast %get3A_6 : vector<512x1xf32> to vector<512x256xf32>
    %add3A_132 = vector.broadcast %get3A_130 : vector<1x256xf32> to vector<512x256xf32>
    %add3A_133 = arith.addf %add3A_131, %add3A_132 : vector<512x256xf32>
    %add3A_134 = arith.addf %add3A_133, %dot_general3A_127 : vector<512x256xf32>
    %lt3A_135 = arith.cmpf olt, %add3A_134, %min3A_122 : vector<512x256xf32>
    %jit3A_136 = arith.constant 7 : i32
    %broadcast_in_dim3A_137 = vector.broadcast %jit3A_136 : i32 to vector<512x256xi32>
    %select_n3A_138 = arith.select %lt3A_135, %broadcast_in_dim3A_137, %select_n3A_121 : vector<512x256xi1>, vector<512x256xi32>
    %min3A_139 = arith.minimumf %min3A_122, %add3A_134 : vector<512x256xf32>
    %get3A_140 = arith.constant 2048 : index
    %get3A_141 = arith.constant 0 : index
    %get3A_142 = vector.load %arg2[%get3A_140, %get3A_141] : memref<8192x256xf32, #tpu.memory_space<vmem>>, vector<256x256xf32>
    %dot_general3A_143 = arith.constant dense<0.000000e+00> : vector<512x256xf32>
    %dot_general3A_144 = tpu.matmul %mul3A_3, %get3A_142, %dot_general3A_143 {dimension_numbers = #tpu.dot_dimension_numbers<[1], [1], [0], [0], [0, 0, 1, 0], [], []>, transpose_lhs_hint = false} : vector<512x256xf32>, vector<256x256xf32>, vector<512x256xf32> -> vector<512x256xf32>
    %get3A_145 = arith.constant 0 : index
    %get3A_146 = arith.constant 2048 : index
    %get3A_147 = vector.load %arg4[%get3A_145, %get3A_146] : memref<1x8192xf32, #tpu.memory_space<vmem>>, vector<1x256xf32>
    %add3A_148 = vector.broadcast %get3A_6 : vector<512x1xf32> to vector<512x256xf32>
    %add3A_149 = vector.broadcast %get3A_147 : vector<1x256xf32> to vector<512x256xf32>
    %add3A_150 = arith.addf %add3A_148, %add3A_149 : vector<512x256xf32>
    %add3A_151 = arith.addf %add3A_150, %dot_general3A_144 : vector<512x256xf32>
    %lt3A_152 = arith.cmpf olt, %add3A_151, %min3A_139 : vector<512x256xf32>
    %jit3A_153 = arith.constant 8 : i32
    %broadcast_in_dim3A_154 = vector.broadcast %jit3A_153 : i32 to vector<512x256xi32>
    %select_n3A_155 = arith.select %lt3A_152, %broadcast_in_dim3A_154, %select_n3A_138 : vector<512x256xi1>, vector<512x256xi32>
    %min3A_156 = arith.minimumf %min3A_139, %add3A_151 : vector<512x256xf32>
    %get3A_157 = arith.constant 2304 : index
    %get3A_158 = arith.constant 0 : index
    %get3A_159 = vector.load %arg2[%get3A_157, %get3A_158] : memref<8192x256xf32, #tpu.memory_space<vmem>>, vector<256x256xf32>
    %dot_general3A_160 = arith.constant dense<0.000000e+00> : vector<512x256xf32>
    %dot_general3A_161 = tpu.matmul %mul3A_3, %get3A_159, %dot_general3A_160 {dimension_numbers = #tpu.dot_dimension_numbers<[1], [1], [0], [0], [0, 0, 1, 0], [], []>, transpose_lhs_hint = false} : vector<512x256xf32>, vector<256x256xf32>, vector<512x256xf32> -> vector<512x256xf32>
    %get3A_162 = arith.constant 0 : index
    %get3A_163 = arith.constant 2304 : index
    %get3A_164 = vector.load %arg4[%get3A_162, %get3A_163] : memref<1x8192xf32, #tpu.memory_space<vmem>>, vector<1x256xf32>
    %add3A_165 = vector.broadcast %get3A_6 : vector<512x1xf32> to vector<512x256xf32>
    %add3A_166 = vector.broadcast %get3A_164 : vector<1x256xf32> to vector<512x256xf32>
    %add3A_167 = arith.addf %add3A_165, %add3A_166 : vector<512x256xf32>
    %add3A_168 = arith.addf %add3A_167, %dot_general3A_161 : vector<512x256xf32>
    %lt3A_169 = arith.cmpf olt, %add3A_168, %min3A_156 : vector<512x256xf32>
    %jit3A_170 = arith.constant 9 : i32
    %broadcast_in_dim3A_171 = vector.broadcast %jit3A_170 : i32 to vector<512x256xi32>
    %select_n3A_172 = arith.select %lt3A_169, %broadcast_in_dim3A_171, %select_n3A_155 : vector<512x256xi1>, vector<512x256xi32>
    %min3A_173 = arith.minimumf %min3A_156, %add3A_168 : vector<512x256xf32>
    %get3A_174 = arith.constant 2560 : index
    %get3A_175 = arith.constant 0 : index
    %get3A_176 = vector.load %arg2[%get3A_174, %get3A_175] : memref<8192x256xf32, #tpu.memory_space<vmem>>, vector<256x256xf32>
    %dot_general3A_177 = arith.constant dense<0.000000e+00> : vector<512x256xf32>
    %dot_general3A_178 = tpu.matmul %mul3A_3, %get3A_176, %dot_general3A_177 {dimension_numbers = #tpu.dot_dimension_numbers<[1], [1], [0], [0], [0, 0, 1, 0], [], []>, transpose_lhs_hint = false} : vector<512x256xf32>, vector<256x256xf32>, vector<512x256xf32> -> vector<512x256xf32>
    %get3A_179 = arith.constant 0 : index
    %get3A_180 = arith.constant 2560 : index
    %get3A_181 = vector.load %arg4[%get3A_179, %get3A_180] : memref<1x8192xf32, #tpu.memory_space<vmem>>, vector<1x256xf32>
    %add3A_182 = vector.broadcast %get3A_6 : vector<512x1xf32> to vector<512x256xf32>
    %add3A_183 = vector.broadcast %get3A_181 : vector<1x256xf32> to vector<512x256xf32>
    %add3A_184 = arith.addf %add3A_182, %add3A_183 : vector<512x256xf32>
    %add3A_185 = arith.addf %add3A_184, %dot_general3A_178 : vector<512x256xf32>
    %lt3A_186 = arith.cmpf olt, %add3A_185, %min3A_173 : vector<512x256xf32>
    %jit3A_187 = arith.constant 10 : i32
    %broadcast_in_dim3A_188 = vector.broadcast %jit3A_187 : i32 to vector<512x256xi32>
    %select_n3A_189 = arith.select %lt3A_186, %broadcast_in_dim3A_188, %select_n3A_172 : vector<512x256xi1>, vector<512x256xi32>
    %min3A_190 = arith.minimumf %min3A_173, %add3A_185 : vector<512x256xf32>
    %get3A_191 = arith.constant 2816 : index
    %get3A_192 = arith.constant 0 : index
    %get3A_193 = vector.load %arg2[%get3A_191, %get3A_192] : memref<8192x256xf32, #tpu.memory_space<vmem>>, vector<256x256xf32>
    %dot_general3A_194 = arith.constant dense<0.000000e+00> : vector<512x256xf32>
    %dot_general3A_195 = tpu.matmul %mul3A_3, %get3A_193, %dot_general3A_194 {dimension_numbers = #tpu.dot_dimension_numbers<[1], [1], [0], [0], [0, 0, 1, 0], [], []>, transpose_lhs_hint = false} : vector<512x256xf32>, vector<256x256xf32>, vector<512x256xf32> -> vector<512x256xf32>
    %get3A_196 = arith.constant 0 : index
    %get3A_197 = arith.constant 2816 : index
    %get3A_198 = vector.load %arg4[%get3A_196, %get3A_197] : memref<1x8192xf32, #tpu.memory_space<vmem>>, vector<1x256xf32>
    %add3A_199 = vector.broadcast %get3A_6 : vector<512x1xf32> to vector<512x256xf32>
    %add3A_200 = vector.broadcast %get3A_198 : vector<1x256xf32> to vector<512x256xf32>
    %add3A_201 = arith.addf %add3A_199, %add3A_200 : vector<512x256xf32>
    %add3A_202 = arith.addf %add3A_201, %dot_general3A_195 : vector<512x256xf32>
    %lt3A_203 = arith.cmpf olt, %add3A_202, %min3A_190 : vector<512x256xf32>
    %jit3A_204 = arith.constant 11 : i32
    %broadcast_in_dim3A_205 = vector.broadcast %jit3A_204 : i32 to vector<512x256xi32>
    %select_n3A_206 = arith.select %lt3A_203, %broadcast_in_dim3A_205, %select_n3A_189 : vector<512x256xi1>, vector<512x256xi32>
    %min3A_207 = arith.minimumf %min3A_190, %add3A_202 : vector<512x256xf32>
    %get3A_208 = arith.constant 3072 : index
    %get3A_209 = arith.constant 0 : index
    %get3A_210 = vector.load %arg2[%get3A_208, %get3A_209] : memref<8192x256xf32, #tpu.memory_space<vmem>>, vector<256x256xf32>
    %dot_general3A_211 = arith.constant dense<0.000000e+00> : vector<512x256xf32>
    %dot_general3A_212 = tpu.matmul %mul3A_3, %get3A_210, %dot_general3A_211 {dimension_numbers = #tpu.dot_dimension_numbers<[1], [1], [0], [0], [0, 0, 1, 0], [], []>, transpose_lhs_hint = false} : vector<512x256xf32>, vector<256x256xf32>, vector<512x256xf32> -> vector<512x256xf32>
    %get3A_213 = arith.constant 0 : index
    %get3A_214 = arith.constant 3072 : index
    %get3A_215 = vector.load %arg4[%get3A_213, %get3A_214] : memref<1x8192xf32, #tpu.memory_space<vmem>>, vector<1x256xf32>
    %add3A_216 = vector.broadcast %get3A_6 : vector<512x1xf32> to vector<512x256xf32>
    %add3A_217 = vector.broadcast %get3A_215 : vector<1x256xf32> to vector<512x256xf32>
    %add3A_218 = arith.addf %add3A_216, %add3A_217 : vector<512x256xf32>
    %add3A_219 = arith.addf %add3A_218, %dot_general3A_212 : vector<512x256xf32>
    %lt3A_220 = arith.cmpf olt, %add3A_219, %min3A_207 : vector<512x256xf32>
    %jit3A_221 = arith.constant 12 : i32
    %broadcast_in_dim3A_222 = vector.broadcast %jit3A_221 : i32 to vector<512x256xi32>
    %select_n3A_223 = arith.select %lt3A_220, %broadcast_in_dim3A_222, %select_n3A_206 : vector<512x256xi1>, vector<512x256xi32>
    %min3A_224 = arith.minimumf %min3A_207, %add3A_219 : vector<512x256xf32>
    %get3A_225 = arith.constant 3328 : index
    %get3A_226 = arith.constant 0 : index
    %get3A_227 = vector.load %arg2[%get3A_225, %get3A_226] : memref<8192x256xf32, #tpu.memory_space<vmem>>, vector<256x256xf32>
    %dot_general3A_228 = arith.constant dense<0.000000e+00> : vector<512x256xf32>
    %dot_general3A_229 = tpu.matmul %mul3A_3, %get3A_227, %dot_general3A_228 {dimension_numbers = #tpu.dot_dimension_numbers<[1], [1], [0], [0], [0, 0, 1, 0], [], []>, transpose_lhs_hint = false} : vector<512x256xf32>, vector<256x256xf32>, vector<512x256xf32> -> vector<512x256xf32>
    %get3A_230 = arith.constant 0 : index
    %get3A_231 = arith.constant 3328 : index
    %get3A_232 = vector.load %arg4[%get3A_230, %get3A_231] : memref<1x8192xf32, #tpu.memory_space<vmem>>, vector<1x256xf32>
    %add3A_233 = vector.broadcast %get3A_6 : vector<512x1xf32> to vector<512x256xf32>
    %add3A_234 = vector.broadcast %get3A_232 : vector<1x256xf32> to vector<512x256xf32>
    %add3A_235 = arith.addf %add3A_233, %add3A_234 : vector<512x256xf32>
    %add3A_236 = arith.addf %add3A_235, %dot_general3A_229 : vector<512x256xf32>
    %lt3A_237 = arith.cmpf olt, %add3A_236, %min3A_224 : vector<512x256xf32>
    %jit3A_238 = arith.constant 13 : i32
    %broadcast_in_dim3A_239 = vector.broadcast %jit3A_238 : i32 to vector<512x256xi32>
    %select_n3A_240 = arith.select %lt3A_237, %broadcast_in_dim3A_239, %select_n3A_223 : vector<512x256xi1>, vector<512x256xi32>
    %min3A_241 = arith.minimumf %min3A_224, %add3A_236 : vector<512x256xf32>
    %get3A_242 = arith.constant 3584 : index
    %get3A_243 = arith.constant 0 : index
    %get3A_244 = vector.load %arg2[%get3A_242, %get3A_243] : memref<8192x256xf32, #tpu.memory_space<vmem>>, vector<256x256xf32>
    %dot_general3A_245 = arith.constant dense<0.000000e+00> : vector<512x256xf32>
    %dot_general3A_246 = tpu.matmul %mul3A_3, %get3A_244, %dot_general3A_245 {dimension_numbers = #tpu.dot_dimension_numbers<[1], [1], [0], [0], [0, 0, 1, 0], [], []>, transpose_lhs_hint = false} : vector<512x256xf32>, vector<256x256xf32>, vector<512x256xf32> -> vector<512x256xf32>
    %get3A_247 = arith.constant 0 : index
    %get3A_248 = arith.constant 3584 : index
    %get3A_249 = vector.load %arg4[%get3A_247, %get3A_248] : memref<1x8192xf32, #tpu.memory_space<vmem>>, vector<1x256xf32>
    %add3A_250 = vector.broadcast %get3A_6 : vector<512x1xf32> to vector<512x256xf32>
    %add3A_251 = vector.broadcast %get3A_249 : vector<1x256xf32> to vector<512x256xf32>
    %add3A_252 = arith.addf %add3A_250, %add3A_251 : vector<512x256xf32>
    %add3A_253 = arith.addf %add3A_252, %dot_general3A_246 : vector<512x256xf32>
    %lt3A_254 = arith.cmpf olt, %add3A_253, %min3A_241 : vector<512x256xf32>
    %jit3A_255 = arith.constant 14 : i32
    %broadcast_in_dim3A_256 = vector.broadcast %jit3A_255 : i32 to vector<512x256xi32>
    %select_n3A_257 = arith.select %lt3A_254, %broadcast_in_dim3A_256, %select_n3A_240 : vector<512x256xi1>, vector<512x256xi32>
    %min3A_258 = arith.minimumf %min3A_241, %add3A_253 : vector<512x256xf32>
    %get3A_259 = arith.constant 3840 : index
    %get3A_260 = arith.constant 0 : index
    %get3A_261 = vector.load %arg2[%get3A_259, %get3A_260] : memref<8192x256xf32, #tpu.memory_space<vmem>>, vector<256x256xf32>
    %dot_general3A_262 = arith.constant dense<0.000000e+00> : vector<512x256xf32>
    %dot_general3A_263 = tpu.matmul %mul3A_3, %get3A_261, %dot_general3A_262 {dimension_numbers = #tpu.dot_dimension_numbers<[1], [1], [0], [0], [0, 0, 1, 0], [], []>, transpose_lhs_hint = false} : vector<512x256xf32>, vector<256x256xf32>, vector<512x256xf32> -> vector<512x256xf32>
    %get3A_264 = arith.constant 0 : index
    %get3A_265 = arith.constant 3840 : index
    %get3A_266 = vector.load %arg4[%get3A_264, %get3A_265] : memref<1x8192xf32, #tpu.memory_space<vmem>>, vector<1x256xf32>
    %add3A_267 = vector.broadcast %get3A_6 : vector<512x1xf32> to vector<512x256xf32>
    %add3A_268 = vector.broadcast %get3A_266 : vector<1x256xf32> to vector<512x256xf32>
    %add3A_269 = arith.addf %add3A_267, %add3A_268 : vector<512x256xf32>
    %add3A_270 = arith.addf %add3A_269, %dot_general3A_263 : vector<512x256xf32>
    %lt3A_271 = arith.cmpf olt, %add3A_270, %min3A_258 : vector<512x256xf32>
    %jit3A_272 = arith.constant 15 : i32
    %broadcast_in_dim3A_273 = vector.broadcast %jit3A_272 : i32 to vector<512x256xi32>
    %select_n3A_274 = arith.select %lt3A_271, %broadcast_in_dim3A_273, %select_n3A_257 : vector<512x256xi1>, vector<512x256xi32>
    %min3A_275 = arith.minimumf %min3A_258, %add3A_270 : vector<512x256xf32>
    %get3A_276 = arith.constant 4096 : index
    %get3A_277 = arith.constant 0 : index
    %get3A_278 = vector.load %arg2[%get3A_276, %get3A_277] : memref<8192x256xf32, #tpu.memory_space<vmem>>, vector<256x256xf32>
    %dot_general3A_279 = arith.constant dense<0.000000e+00> : vector<512x256xf32>
    %dot_general3A_280 = tpu.matmul %mul3A_3, %get3A_278, %dot_general3A_279 {dimension_numbers = #tpu.dot_dimension_numbers<[1], [1], [0], [0], [0, 0, 1, 0], [], []>, transpose_lhs_hint = false} : vector<512x256xf32>, vector<256x256xf32>, vector<512x256xf32> -> vector<512x256xf32>
    %get3A_281 = arith.constant 0 : index
    %get3A_282 = arith.constant 4096 : index
    %get3A_283 = vector.load %arg4[%get3A_281, %get3A_282] : memref<1x8192xf32, #tpu.memory_space<vmem>>, vector<1x256xf32>
    %add3A_284 = vector.broadcast %get3A_6 : vector<512x1xf32> to vector<512x256xf32>
    %add3A_285 = vector.broadcast %get3A_283 : vector<1x256xf32> to vector<512x256xf32>
    %add3A_286 = arith.addf %add3A_284, %add3A_285 : vector<512x256xf32>
    %add3A_287 = arith.addf %add3A_286, %dot_general3A_280 : vector<512x256xf32>
    %lt3A_288 = arith.cmpf olt, %add3A_287, %min3A_275 : vector<512x256xf32>
    %jit3A_289 = arith.constant 16 : i32
    %broadcast_in_dim3A_290 = vector.broadcast %jit3A_289 : i32 to vector<512x256xi32>
    %select_n3A_291 = arith.select %lt3A_288, %broadcast_in_dim3A_290, %select_n3A_274 : vector<512x256xi1>, vector<512x256xi32>
    %min3A_292 = arith.minimumf %min3A_275, %add3A_287 : vector<512x256xf32>
    %get3A_293 = arith.constant 4352 : index
    %get3A_294 = arith.constant 0 : index
    %get3A_295 = vector.load %arg2[%get3A_293, %get3A_294] : memref<8192x256xf32, #tpu.memory_space<vmem>>, vector<256x256xf32>
    %dot_general3A_296 = arith.constant dense<0.000000e+00> : vector<512x256xf32>
    %dot_general3A_297 = tpu.matmul %mul3A_3, %get3A_295, %dot_general3A_296 {dimension_numbers = #tpu.dot_dimension_numbers<[1], [1], [0], [0], [0, 0, 1, 0], [], []>, transpose_lhs_hint = false} : vector<512x256xf32>, vector<256x256xf32>, vector<512x256xf32> -> vector<512x256xf32>
    %get3A_298 = arith.constant 0 : index
    %get3A_299 = arith.constant 4352 : index
    %get3A_300 = vector.load %arg4[%get3A_298, %get3A_299] : memref<1x8192xf32, #tpu.memory_space<vmem>>, vector<1x256xf32>
    %add3A_301 = vector.broadcast %get3A_6 : vector<512x1xf32> to vector<512x256xf32>
    %add3A_302 = vector.broadcast %get3A_300 : vector<1x256xf32> to vector<512x256xf32>
    %add3A_303 = arith.addf %add3A_301, %add3A_302 : vector<512x256xf32>
    %add3A_304 = arith.addf %add3A_303, %dot_general3A_297 : vector<512x256xf32>
    %lt3A_305 = arith.cmpf olt, %add3A_304, %min3A_292 : vector<512x256xf32>
    %jit3A_306 = arith.constant 17 : i32
    %broadcast_in_dim3A_307 = vector.broadcast %jit3A_306 : i32 to vector<512x256xi32>
    %select_n3A_308 = arith.select %lt3A_305, %broadcast_in_dim3A_307, %select_n3A_291 : vector<512x256xi1>, vector<512x256xi32>
    %min3A_309 = arith.minimumf %min3A_292, %add3A_304 : vector<512x256xf32>
    %get3A_310 = arith.constant 4608 : index
    %get3A_311 = arith.constant 0 : index
    %get3A_312 = vector.load %arg2[%get3A_310, %get3A_311] : memref<8192x256xf32, #tpu.memory_space<vmem>>, vector<256x256xf32>
    %dot_general3A_313 = arith.constant dense<0.000000e+00> : vector<512x256xf32>
    %dot_general3A_314 = tpu.matmul %mul3A_3, %get3A_312, %dot_general3A_313 {dimension_numbers = #tpu.dot_dimension_numbers<[1], [1], [0], [0], [0, 0, 1, 0], [], []>, transpose_lhs_hint = false} : vector<512x256xf32>, vector<256x256xf32>, vector<512x256xf32> -> vector<512x256xf32>
    %get3A_315 = arith.constant 0 : index
    %get3A_316 = arith.constant 4608 : index
    %get3A_317 = vector.load %arg4[%get3A_315, %get3A_316] : memref<1x8192xf32, #tpu.memory_space<vmem>>, vector<1x256xf32>
    %add3A_318 = vector.broadcast %get3A_6 : vector<512x1xf32> to vector<512x256xf32>
    %add3A_319 = vector.broadcast %get3A_317 : vector<1x256xf32> to vector<512x256xf32>
    %add3A_320 = arith.addf %add3A_318, %add3A_319 : vector<512x256xf32>
    %add3A_321 = arith.addf %add3A_320, %dot_general3A_314 : vector<512x256xf32>
    %lt3A_322 = arith.cmpf olt, %add3A_321, %min3A_309 : vector<512x256xf32>
    %jit3A_323 = arith.constant 18 : i32
    %broadcast_in_dim3A_324 = vector.broadcast %jit3A_323 : i32 to vector<512x256xi32>
    %select_n3A_325 = arith.select %lt3A_322, %broadcast_in_dim3A_324, %select_n3A_308 : vector<512x256xi1>, vector<512x256xi32>
    %min3A_326 = arith.minimumf %min3A_309, %add3A_321 : vector<512x256xf32>
    %get3A_327 = arith.constant 4864 : index
    %get3A_328 = arith.constant 0 : index
    %get3A_329 = vector.load %arg2[%get3A_327, %get3A_328] : memref<8192x256xf32, #tpu.memory_space<vmem>>, vector<256x256xf32>
    %dot_general3A_330 = arith.constant dense<0.000000e+00> : vector<512x256xf32>
    %dot_general3A_331 = tpu.matmul %mul3A_3, %get3A_329, %dot_general3A_330 {dimension_numbers = #tpu.dot_dimension_numbers<[1], [1], [0], [0], [0, 0, 1, 0], [], []>, transpose_lhs_hint = false} : vector<512x256xf32>, vector<256x256xf32>, vector<512x256xf32> -> vector<512x256xf32>
    %get3A_332 = arith.constant 0 : index
    %get3A_333 = arith.constant 4864 : index
    %get3A_334 = vector.load %arg4[%get3A_332, %get3A_333] : memref<1x8192xf32, #tpu.memory_space<vmem>>, vector<1x256xf32>
    %add3A_335 = vector.broadcast %get3A_6 : vector<512x1xf32> to vector<512x256xf32>
    %add3A_336 = vector.broadcast %get3A_334 : vector<1x256xf32> to vector<512x256xf32>
    %add3A_337 = arith.addf %add3A_335, %add3A_336 : vector<512x256xf32>
    %add3A_338 = arith.addf %add3A_337, %dot_general3A_331 : vector<512x256xf32>
    %lt3A_339 = arith.cmpf olt, %add3A_338, %min3A_326 : vector<512x256xf32>
    %jit3A_340 = arith.constant 19 : i32
    %broadcast_in_dim3A_341 = vector.broadcast %jit3A_340 : i32 to vector<512x256xi32>
    %select_n3A_342 = arith.select %lt3A_339, %broadcast_in_dim3A_341, %select_n3A_325 : vector<512x256xi1>, vector<512x256xi32>
    %min3A_343 = arith.minimumf %min3A_326, %add3A_338 : vector<512x256xf32>
    %get3A_344 = arith.constant 5120 : index
    %get3A_345 = arith.constant 0 : index
    %get3A_346 = vector.load %arg2[%get3A_344, %get3A_345] : memref<8192x256xf32, #tpu.memory_space<vmem>>, vector<256x256xf32>
    %dot_general3A_347 = arith.constant dense<0.000000e+00> : vector<512x256xf32>
    %dot_general3A_348 = tpu.matmul %mul3A_3, %get3A_346, %dot_general3A_347 {dimension_numbers = #tpu.dot_dimension_numbers<[1], [1], [0], [0], [0, 0, 1, 0], [], []>, transpose_lhs_hint = false} : vector<512x256xf32>, vector<256x256xf32>, vector<512x256xf32> -> vector<512x256xf32>
    %get3A_349 = arith.constant 0 : index
    %get3A_350 = arith.constant 5120 : index
    %get3A_351 = vector.load %arg4[%get3A_349, %get3A_350] : memref<1x8192xf32, #tpu.memory_space<vmem>>, vector<1x256xf32>
    %add3A_352 = vector.broadcast %get3A_6 : vector<512x1xf32> to vector<512x256xf32>
    %add3A_353 = vector.broadcast %get3A_351 : vector<1x256xf32> to vector<512x256xf32>
    %add3A_354 = arith.addf %add3A_352, %add3A_353 : vector<512x256xf32>
    %add3A_355 = arith.addf %add3A_354, %dot_general3A_348 : vector<512x256xf32>
    %lt3A_356 = arith.cmpf olt, %add3A_355, %min3A_343 : vector<512x256xf32>
    %jit3A_357 = arith.constant 20 : i32
    %broadcast_in_dim3A_358 = vector.broadcast %jit3A_357 : i32 to vector<512x256xi32>
    %select_n3A_359 = arith.select %lt3A_356, %broadcast_in_dim3A_358, %select_n3A_342 : vector<512x256xi1>, vector<512x256xi32>
    %min3A_360 = arith.minimumf %min3A_343, %add3A_355 : vector<512x256xf32>
    %get3A_361 = arith.constant 5376 : index
    %get3A_362 = arith.constant 0 : index
    %get3A_363 = vector.load %arg2[%get3A_361, %get3A_362] : memref<8192x256xf32, #tpu.memory_space<vmem>>, vector<256x256xf32>
    %dot_general3A_364 = arith.constant dense<0.000000e+00> : vector<512x256xf32>
    %dot_general3A_365 = tpu.matmul %mul3A_3, %get3A_363, %dot_general3A_364 {dimension_numbers = #tpu.dot_dimension_numbers<[1], [1], [0], [0], [0, 0, 1, 0], [], []>, transpose_lhs_hint = false} : vector<512x256xf32>, vector<256x256xf32>, vector<512x256xf32> -> vector<512x256xf32>
    %get3A_366 = arith.constant 0 : index
    %get3A_367 = arith.constant 5376 : index
    %get3A_368 = vector.load %arg4[%get3A_366, %get3A_367] : memref<1x8192xf32, #tpu.memory_space<vmem>>, vector<1x256xf32>
    %add3A_369 = vector.broadcast %get3A_6 : vector<512x1xf32> to vector<512x256xf32>
    %add3A_370 = vector.broadcast %get3A_368 : vector<1x256xf32> to vector<512x256xf32>
    %add3A_371 = arith.addf %add3A_369, %add3A_370 : vector<512x256xf32>
    %add3A_372 = arith.addf %add3A_371, %dot_general3A_365 : vector<512x256xf32>
    %lt3A_373 = arith.cmpf olt, %add3A_372, %min3A_360 : vector<512x256xf32>
    %jit3A_374 = arith.constant 21 : i32
    %broadcast_in_dim3A_375 = vector.broadcast %jit3A_374 : i32 to vector<512x256xi32>
    %select_n3A_376 = arith.select %lt3A_373, %broadcast_in_dim3A_375, %select_n3A_359 : vector<512x256xi1>, vector<512x256xi32>
    %min3A_377 = arith.minimumf %min3A_360, %add3A_372 : vector<512x256xf32>
    %get3A_378 = arith.constant 5632 : index
    %get3A_379 = arith.constant 0 : index
    %get3A_380 = vector.load %arg2[%get3A_378, %get3A_379] : memref<8192x256xf32, #tpu.memory_space<vmem>>, vector<256x256xf32>
    %dot_general3A_381 = arith.constant dense<0.000000e+00> : vector<512x256xf32>
    %dot_general3A_382 = tpu.matmul %mul3A_3, %get3A_380, %dot_general3A_381 {dimension_numbers = #tpu.dot_dimension_numbers<[1], [1], [0], [0], [0, 0, 1, 0], [], []>, transpose_lhs_hint = false} : vector<512x256xf32>, vector<256x256xf32>, vector<512x256xf32> -> vector<512x256xf32>
    %get3A_383 = arith.constant 0 : index
    %get3A_384 = arith.constant 5632 : index
    %get3A_385 = vector.load %arg4[%get3A_383, %get3A_384] : memref<1x8192xf32, #tpu.memory_space<vmem>>, vector<1x256xf32>
    %add3A_386 = vector.broadcast %get3A_6 : vector<512x1xf32> to vector<512x256xf32>
    %add3A_387 = vector.broadcast %get3A_385 : vector<1x256xf32> to vector<512x256xf32>
    %add3A_388 = arith.addf %add3A_386, %add3A_387 : vector<512x256xf32>
    %add3A_389 = arith.addf %add3A_388, %dot_general3A_382 : vector<512x256xf32>
    %lt3A_390 = arith.cmpf olt, %add3A_389, %min3A_377 : vector<512x256xf32>
    %jit3A_391 = arith.constant 22 : i32
    %broadcast_in_dim3A_392 = vector.broadcast %jit3A_391 : i32 to vector<512x256xi32>
    %select_n3A_393 = arith.select %lt3A_390, %broadcast_in_dim3A_392, %select_n3A_376 : vector<512x256xi1>, vector<512x256xi32>
    %min3A_394 = arith.minimumf %min3A_377, %add3A_389 : vector<512x256xf32>
    %get3A_395 = arith.constant 5888 : index
    %get3A_396 = arith.constant 0 : index
    %get3A_397 = vector.load %arg2[%get3A_395, %get3A_396] : memref<8192x256xf32, #tpu.memory_space<vmem>>, vector<256x256xf32>
    %dot_general3A_398 = arith.constant dense<0.000000e+00> : vector<512x256xf32>
    %dot_general3A_399 = tpu.matmul %mul3A_3, %get3A_397, %dot_general3A_398 {dimension_numbers = #tpu.dot_dimension_numbers<[1], [1], [0], [0], [0, 0, 1, 0], [], []>, transpose_lhs_hint = false} : vector<512x256xf32>, vector<256x256xf32>, vector<512x256xf32> -> vector<512x256xf32>
    %get3A_400 = arith.constant 0 : index
    %get3A_401 = arith.constant 5888 : index
    %get3A_402 = vector.load %arg4[%get3A_400, %get3A_401] : memref<1x8192xf32, #tpu.memory_space<vmem>>, vector<1x256xf32>
    %add3A_403 = vector.broadcast %get3A_6 : vector<512x1xf32> to vector<512x256xf32>
    %add3A_404 = vector.broadcast %get3A_402 : vector<1x256xf32> to vector<512x256xf32>
    %add3A_405 = arith.addf %add3A_403, %add3A_404 : vector<512x256xf32>
    %add3A_406 = arith.addf %add3A_405, %dot_general3A_399 : vector<512x256xf32>
    %lt3A_407 = arith.cmpf olt, %add3A_406, %min3A_394 : vector<512x256xf32>
    %jit3A_408 = arith.constant 23 : i32
    %broadcast_in_dim3A_409 = vector.broadcast %jit3A_408 : i32 to vector<512x256xi32>
    %select_n3A_410 = arith.select %lt3A_407, %broadcast_in_dim3A_409, %select_n3A_393 : vector<512x256xi1>, vector<512x256xi32>
    %min3A_411 = arith.minimumf %min3A_394, %add3A_406 : vector<512x256xf32>
    %get3A_412 = arith.constant 6144 : index
    %get3A_413 = arith.constant 0 : index
    %get3A_414 = vector.load %arg2[%get3A_412, %get3A_413] : memref<8192x256xf32, #tpu.memory_space<vmem>>, vector<256x256xf32>
    %dot_general3A_415 = arith.constant dense<0.000000e+00> : vector<512x256xf32>
    %dot_general3A_416 = tpu.matmul %mul3A_3, %get3A_414, %dot_general3A_415 {dimension_numbers = #tpu.dot_dimension_numbers<[1], [1], [0], [0], [0, 0, 1, 0], [], []>, transpose_lhs_hint = false} : vector<512x256xf32>, vector<256x256xf32>, vector<512x256xf32> -> vector<512x256xf32>
    %get3A_417 = arith.constant 0 : index
    %get3A_418 = arith.constant 6144 : index
    %get3A_419 = vector.load %arg4[%get3A_417, %get3A_418] : memref<1x8192xf32, #tpu.memory_space<vmem>>, vector<1x256xf32>
    %add3A_420 = vector.broadcast %get3A_6 : vector<512x1xf32> to vector<512x256xf32>
    %add3A_421 = vector.broadcast %get3A_419 : vector<1x256xf32> to vector<512x256xf32>
    %add3A_422 = arith.addf %add3A_420, %add3A_421 : vector<512x256xf32>
    %add3A_423 = arith.addf %add3A_422, %dot_general3A_416 : vector<512x256xf32>
    %lt3A_424 = arith.cmpf olt, %add3A_423, %min3A_411 : vector<512x256xf32>
    %jit3A_425 = arith.constant 24 : i32
    %broadcast_in_dim3A_426 = vector.broadcast %jit3A_425 : i32 to vector<512x256xi32>
    %select_n3A_427 = arith.select %lt3A_424, %broadcast_in_dim3A_426, %select_n3A_410 : vector<512x256xi1>, vector<512x256xi32>
    %min3A_428 = arith.minimumf %min3A_411, %add3A_423 : vector<512x256xf32>
    %get3A_429 = arith.constant 6400 : index
    %get3A_430 = arith.constant 0 : index
    %get3A_431 = vector.load %arg2[%get3A_429, %get3A_430] : memref<8192x256xf32, #tpu.memory_space<vmem>>, vector<256x256xf32>
    %dot_general3A_432 = arith.constant dense<0.000000e+00> : vector<512x256xf32>
    %dot_general3A_433 = tpu.matmul %mul3A_3, %get3A_431, %dot_general3A_432 {dimension_numbers = #tpu.dot_dimension_numbers<[1], [1], [0], [0], [0, 0, 1, 0], [], []>, transpose_lhs_hint = false} : vector<512x256xf32>, vector<256x256xf32>, vector<512x256xf32> -> vector<512x256xf32>
    %get3A_434 = arith.constant 0 : index
    %get3A_435 = arith.constant 6400 : index
    %get3A_436 = vector.load %arg4[%get3A_434, %get3A_435] : memref<1x8192xf32, #tpu.memory_space<vmem>>, vector<1x256xf32>
    %add3A_437 = vector.broadcast %get3A_6 : vector<512x1xf32> to vector<512x256xf32>
    %add3A_438 = vector.broadcast %get3A_436 : vector<1x256xf32> to vector<512x256xf32>
    %add3A_439 = arith.addf %add3A_437, %add3A_438 : vector<512x256xf32>
    %add3A_440 = arith.addf %add3A_439, %dot_general3A_433 : vector<512x256xf32>
    %lt3A_441 = arith.cmpf olt, %add3A_440, %min3A_428 : vector<512x256xf32>
    %jit3A_442 = arith.constant 25 : i32
    %broadcast_in_dim3A_443 = vector.broadcast %jit3A_442 : i32 to vector<512x256xi32>
    %select_n3A_444 = arith.select %lt3A_441, %broadcast_in_dim3A_443, %select_n3A_427 : vector<512x256xi1>, vector<512x256xi32>
    %min3A_445 = arith.minimumf %min3A_428, %add3A_440 : vector<512x256xf32>
    %get3A_446 = arith.constant 6656 : index
    %get3A_447 = arith.constant 0 : index
    %get3A_448 = vector.load %arg2[%get3A_446, %get3A_447] : memref<8192x256xf32, #tpu.memory_space<vmem>>, vector<256x256xf32>
    %dot_general3A_449 = arith.constant dense<0.000000e+00> : vector<512x256xf32>
    %dot_general3A_450 = tpu.matmul %mul3A_3, %get3A_448, %dot_general3A_449 {dimension_numbers = #tpu.dot_dimension_numbers<[1], [1], [0], [0], [0, 0, 1, 0], [], []>, transpose_lhs_hint = false} : vector<512x256xf32>, vector<256x256xf32>, vector<512x256xf32> -> vector<512x256xf32>
    %get3A_451 = arith.constant 0 : index
    %get3A_452 = arith.constant 6656 : index
    %get3A_453 = vector.load %arg4[%get3A_451, %get3A_452] : memref<1x8192xf32, #tpu.memory_space<vmem>>, vector<1x256xf32>
    %add3A_454 = vector.broadcast %get3A_6 : vector<512x1xf32> to vector<512x256xf32>
    %add3A_455 = vector.broadcast %get3A_453 : vector<1x256xf32> to vector<512x256xf32>
    %add3A_456 = arith.addf %add3A_454, %add3A_455 : vector<512x256xf32>
    %add3A_457 = arith.addf %add3A_456, %dot_general3A_450 : vector<512x256xf32>
    %lt3A_458 = arith.cmpf olt, %add3A_457, %min3A_445 : vector<512x256xf32>
    %jit3A_459 = arith.constant 26 : i32
    %broadcast_in_dim3A_460 = vector.broadcast %jit3A_459 : i32 to vector<512x256xi32>
    %select_n3A_461 = arith.select %lt3A_458, %broadcast_in_dim3A_460, %select_n3A_444 : vector<512x256xi1>, vector<512x256xi32>
    %min3A_462 = arith.minimumf %min3A_445, %add3A_457 : vector<512x256xf32>
    %get3A_463 = arith.constant 6912 : index
    %get3A_464 = arith.constant 0 : index
    %get3A_465 = vector.load %arg2[%get3A_463, %get3A_464] : memref<8192x256xf32, #tpu.memory_space<vmem>>, vector<256x256xf32>
    %dot_general3A_466 = arith.constant dense<0.000000e+00> : vector<512x256xf32>
    %dot_general3A_467 = tpu.matmul %mul3A_3, %get3A_465, %dot_general3A_466 {dimension_numbers = #tpu.dot_dimension_numbers<[1], [1], [0], [0], [0, 0, 1, 0], [], []>, transpose_lhs_hint = false} : vector<512x256xf32>, vector<256x256xf32>, vector<512x256xf32> -> vector<512x256xf32>
    %get3A_468 = arith.constant 0 : index
    %get3A_469 = arith.constant 6912 : index
    %get3A_470 = vector.load %arg4[%get3A_468, %get3A_469] : memref<1x8192xf32, #tpu.memory_space<vmem>>, vector<1x256xf32>
    %add3A_471 = vector.broadcast %get3A_6 : vector<512x1xf32> to vector<512x256xf32>
    %add3A_472 = vector.broadcast %get3A_470 : vector<1x256xf32> to vector<512x256xf32>
    %add3A_473 = arith.addf %add3A_471, %add3A_472 : vector<512x256xf32>
    %add3A_474 = arith.addf %add3A_473, %dot_general3A_467 : vector<512x256xf32>
    %lt3A_475 = arith.cmpf olt, %add3A_474, %min3A_462 : vector<512x256xf32>
    %jit3A_476 = arith.constant 27 : i32
    %broadcast_in_dim3A_477 = vector.broadcast %jit3A_476 : i32 to vector<512x256xi32>
    %select_n3A_478 = arith.select %lt3A_475, %broadcast_in_dim3A_477, %select_n3A_461 : vector<512x256xi1>, vector<512x256xi32>
    %min3A_479 = arith.minimumf %min3A_462, %add3A_474 : vector<512x256xf32>
    %get3A_480 = arith.constant 7168 : index
    %get3A_481 = arith.constant 0 : index
    %get3A_482 = vector.load %arg2[%get3A_480, %get3A_481] : memref<8192x256xf32, #tpu.memory_space<vmem>>, vector<256x256xf32>
    %dot_general3A_483 = arith.constant dense<0.000000e+00> : vector<512x256xf32>
    %dot_general3A_484 = tpu.matmul %mul3A_3, %get3A_482, %dot_general3A_483 {dimension_numbers = #tpu.dot_dimension_numbers<[1], [1], [0], [0], [0, 0, 1, 0], [], []>, transpose_lhs_hint = false} : vector<512x256xf32>, vector<256x256xf32>, vector<512x256xf32> -> vector<512x256xf32>
    %get3A_485 = arith.constant 0 : index
    %get3A_486 = arith.constant 7168 : index
    %get3A_487 = vector.load %arg4[%get3A_485, %get3A_486] : memref<1x8192xf32, #tpu.memory_space<vmem>>, vector<1x256xf32>
    %add3A_488 = vector.broadcast %get3A_6 : vector<512x1xf32> to vector<512x256xf32>
    %add3A_489 = vector.broadcast %get3A_487 : vector<1x256xf32> to vector<512x256xf32>
    %add3A_490 = arith.addf %add3A_488, %add3A_489 : vector<512x256xf32>
    %add3A_491 = arith.addf %add3A_490, %dot_general3A_484 : vector<512x256xf32>
    %lt3A_492 = arith.cmpf olt, %add3A_491, %min3A_479 : vector<512x256xf32>
    %jit3A_493 = arith.constant 28 : i32
    %broadcast_in_dim3A_494 = vector.broadcast %jit3A_493 : i32 to vector<512x256xi32>
    %select_n3A_495 = arith.select %lt3A_492, %broadcast_in_dim3A_494, %select_n3A_478 : vector<512x256xi1>, vector<512x256xi32>
    %min3A_496 = arith.minimumf %min3A_479, %add3A_491 : vector<512x256xf32>
    %get3A_497 = arith.constant 7424 : index
    %get3A_498 = arith.constant 0 : index
    %get3A_499 = vector.load %arg2[%get3A_497, %get3A_498] : memref<8192x256xf32, #tpu.memory_space<vmem>>, vector<256x256xf32>
    %dot_general3A_500 = arith.constant dense<0.000000e+00> : vector<512x256xf32>
    %dot_general3A_501 = tpu.matmul %mul3A_3, %get3A_499, %dot_general3A_500 {dimension_numbers = #tpu.dot_dimension_numbers<[1], [1], [0], [0], [0, 0, 1, 0], [], []>, transpose_lhs_hint = false} : vector<512x256xf32>, vector<256x256xf32>, vector<512x256xf32> -> vector<512x256xf32>
    %get3A_502 = arith.constant 0 : index
    %get3A_503 = arith.constant 7424 : index
    %get3A_504 = vector.load %arg4[%get3A_502, %get3A_503] : memref<1x8192xf32, #tpu.memory_space<vmem>>, vector<1x256xf32>
    %add3A_505 = vector.broadcast %get3A_6 : vector<512x1xf32> to vector<512x256xf32>
    %add3A_506 = vector.broadcast %get3A_504 : vector<1x256xf32> to vector<512x256xf32>
    %add3A_507 = arith.addf %add3A_505, %add3A_506 : vector<512x256xf32>
    %add3A_508 = arith.addf %add3A_507, %dot_general3A_501 : vector<512x256xf32>
    %lt3A_509 = arith.cmpf olt, %add3A_508, %min3A_496 : vector<512x256xf32>
    %jit3A_510 = arith.constant 29 : i32
    %broadcast_in_dim3A_511 = vector.broadcast %jit3A_510 : i32 to vector<512x256xi32>
    %select_n3A_512 = arith.select %lt3A_509, %broadcast_in_dim3A_511, %select_n3A_495 : vector<512x256xi1>, vector<512x256xi32>
    %min3A_513 = arith.minimumf %min3A_496, %add3A_508 : vector<512x256xf32>
    %get3A_514 = arith.constant 7680 : index
    %get3A_515 = arith.constant 0 : index
    %get3A_516 = vector.load %arg2[%get3A_514, %get3A_515] : memref<8192x256xf32, #tpu.memory_space<vmem>>, vector<256x256xf32>
    %dot_general3A_517 = arith.constant dense<0.000000e+00> : vector<512x256xf32>
    %dot_general3A_518 = tpu.matmul %mul3A_3, %get3A_516, %dot_general3A_517 {dimension_numbers = #tpu.dot_dimension_numbers<[1], [1], [0], [0], [0, 0, 1, 0], [], []>, transpose_lhs_hint = false} : vector<512x256xf32>, vector<256x256xf32>, vector<512x256xf32> -> vector<512x256xf32>
    %get3A_519 = arith.constant 0 : index
    %get3A_520 = arith.constant 7680 : index
    %get3A_521 = vector.load %arg4[%get3A_519, %get3A_520] : memref<1x8192xf32, #tpu.memory_space<vmem>>, vector<1x256xf32>
    %add3A_522 = vector.broadcast %get3A_6 : vector<512x1xf32> to vector<512x256xf32>
    %add3A_523 = vector.broadcast %get3A_521 : vector<1x256xf32> to vector<512x256xf32>
    %add3A_524 = arith.addf %add3A_522, %add3A_523 : vector<512x256xf32>
    %add3A_525 = arith.addf %add3A_524, %dot_general3A_518 : vector<512x256xf32>
    %lt3A_526 = arith.cmpf olt, %add3A_525, %min3A_513 : vector<512x256xf32>
    %jit3A_527 = arith.constant 30 : i32
    %broadcast_in_dim3A_528 = vector.broadcast %jit3A_527 : i32 to vector<512x256xi32>
    %select_n3A_529 = arith.select %lt3A_526, %broadcast_in_dim3A_528, %select_n3A_512 : vector<512x256xi1>, vector<512x256xi32>
    %min3A_530 = arith.minimumf %min3A_513, %add3A_525 : vector<512x256xf32>
    %get3A_531 = arith.constant 7936 : index
    %get3A_532 = arith.constant 0 : index
    %get3A_533 = vector.load %arg2[%get3A_531, %get3A_532] : memref<8192x256xf32, #tpu.memory_space<vmem>>, vector<256x256xf32>
    %dot_general3A_534 = arith.constant dense<0.000000e+00> : vector<512x256xf32>
    %dot_general3A_535 = tpu.matmul %mul3A_3, %get3A_533, %dot_general3A_534 {dimension_numbers = #tpu.dot_dimension_numbers<[1], [1], [0], [0], [0, 0, 1, 0], [], []>, transpose_lhs_hint = false} : vector<512x256xf32>, vector<256x256xf32>, vector<512x256xf32> -> vector<512x256xf32>
    %get3A_536 = arith.constant 0 : index
    %get3A_537 = arith.constant 7936 : index
    %get3A_538 = vector.load %arg4[%get3A_536, %get3A_537] : memref<1x8192xf32, #tpu.memory_space<vmem>>, vector<1x256xf32>
    %add3A_539 = vector.broadcast %get3A_6 : vector<512x1xf32> to vector<512x256xf32>
    %add3A_540 = vector.broadcast %get3A_538 : vector<1x256xf32> to vector<512x256xf32>
    %add3A_541 = arith.addf %add3A_539, %add3A_540 : vector<512x256xf32>
    %add3A_542 = arith.addf %add3A_541, %dot_general3A_535 : vector<512x256xf32>
    %lt3A_543 = arith.cmpf olt, %add3A_542, %min3A_530 : vector<512x256xf32>
    %jit3A_544 = arith.constant 31 : i32
    %broadcast_in_dim3A_545 = vector.broadcast %jit3A_544 : i32 to vector<512x256xi32>
    %select_n3A_546 = arith.select %lt3A_543, %broadcast_in_dim3A_545, %select_n3A_529 : vector<512x256xi1>, vector<512x256xi32>
    %min3A_547 = arith.minimumf %min3A_530, %add3A_542 : vector<512x256xf32>
    %reduce_min3A = arith.constant dense<0x7F800000> : vector<512xf32>
    %reduce_min3A_548 = vector.multi_reduction <minimumf>, %min3A_547, %reduce_min3A [1] : vector<512x256xf32> to vector<512xf32>
    %broadcast_in_dim3A_549 = vector.shape_cast %reduce_min3A_548 : vector<512xf32> to vector<512x1xf32>
    %iota3A = tpu.iota {dimensions = array<i32: 1>} : vector<512x256xi32>
    %eq3A = vector.broadcast %broadcast_in_dim3A_549 : vector<512x1xf32> to vector<512x256xf32>
    %eq3A_550 = arith.cmpf oeq, %min3A_547, %eq3A : vector<512x256xf32>
    %mul3A_551 = arith.constant 256 : i32
    %mul3A_552 = vector.broadcast %mul3A_551 : i32 to vector<512x256xi32>
    %mul3A_553 = arith.muli %select_n3A_546, %mul3A_552 : vector<512x256xi32>
    %add3A_554 = arith.addi %mul3A_553, %iota3A : vector<512x256xi32>
    %jit3A_555 = arith.constant 1073741824 : i32
    %broadcast_in_dim3A_556 = vector.broadcast %jit3A_555 : i32 to vector<512x256xi32>
    %select_n3A_557 = arith.select %eq3A_550, %add3A_554, %broadcast_in_dim3A_556 : vector<512x256xi1>, vector<512x256xi32>
    %reduce_min3A_558 = arith.constant dense<2147483647> : vector<512xi32>
    %reduce_min3A_559 = vector.multi_reduction <minsi>, %select_n3A_557, %reduce_min3A_558 [1] : vector<512x256xi32> to vector<512xi32>
    %swap3A = arith.constant 0 : index
    %swap3A_560 = arith.constant 0 : index
    %swap3A_561 = arith.constant 0 : index
    %swap3A_562 = vector.load %arg5[%swap3A, %swap3A_560, %swap3A_561] : memref<1x1x512xi32, #tpu.memory_space<vmem>>, vector<1x1x512xi32>
    %swap3A_563 = vector.shape_cast %swap3A_562 : vector<1x1x512xi32> to vector<512xi32>
    %swap3A_564 = vector.shape_cast %reduce_min3A_559 : vector<512xi32> to vector<1x1x512xi32>
    tpu.vector_store %arg5[%swap3A, %swap3A_560, %swap3A_561], %swap3A_564 {strides = array<i32>} : memref<1x1x512xi32, #tpu.memory_space<vmem>>, vector<1x1x512xi32>,
    %eq3A_565 = arith.constant 0 : i32
    %eq3A_566 = arith.cmpi eq, %arg0, %eq3A_565 : i32
    %convert_element_type3A = arith.extui %eq3A_566 : i1 to i32
    %cond3A = arith.constant 0 : i32
    %cond3A_567 = arith.cmpi ne, %convert_element_type3A, %cond3A : i32
    scf.if %cond3A_567 {
      %broadcast_in_dim3A_579 = arith.constant 0.000000e+00 : f32
      %broadcast_in_dim3A_580 = vector.broadcast %broadcast_in_dim3A_579 : f32 to vector<1x1xf32>
      %swap3A_581 = arith.constant 0 : index
      %swap3A_582 = arith.constant 0 : index
      %swap3A_583 = vector.load %arg6[%swap3A_581, %swap3A_582] : memref<1x1xf32, #tpu.memory_space<vmem>>, vector<1x1xf32>
      tpu.vector_store %arg6[%swap3A_581, %swap3A_582], %broadcast_in_dim3A_580 {strides = array<i32>} : memref<1x1xf32, #tpu.memory_space<vmem>>, vector<1x1xf32>,
    } else {
    }
    %get3A_568 = arith.constant 0 : index
    %get3A_569 = arith.constant 0 : index
    %get3A_570 = vector.load %arg6[%get3A_568, %get3A_569] : memref<1x1xf32, #tpu.memory_space<vmem>>, vector<1x1xf32>
    %reduce_sum3A = vector.shape_cast %broadcast_in_dim3A_549 : vector<512x1xf32> to vector<1x512x1xf32>
    %reduce_sum3A_571 = arith.constant dense<0.000000e+00> : vector<1xf32>
    %reduce_sum3A_572 = vector.multi_reduction <add>, %reduce_sum3A, %reduce_sum3A_571 [1, 2] : vector<1x512x1xf32> to vector<1xf32>
    %reduce_sum3A_573 = vector.shape_cast %reduce_sum3A_572 : vector<1xf32> to vector<1x1x1xf32>
    %reduce_sum3A_574 = vector.extract %reduce_sum3A_573[0, 0, 0] : f32 from vector<1x1x1xf32>
    %reshape3A = vector.broadcast %reduce_sum3A_574 : f32 to vector<1x1xf32>
    %add3A_575 = arith.addf %get3A_570, %reshape3A : vector<1x1xf32>
    %swap3A_576 = arith.constant 0 : index
    %swap3A_577 = arith.constant 0 : index
    %swap3A_578 = vector.load %arg6[%swap3A_576, %swap3A_577] : memref<1x1xf32, #tpu.memory_space<vmem>>, vector<1x1xf32>
    tpu.vector_store %arg6[%swap3A_576, %swap3A_577], %add3A_575 {strides = array<i32>} : memref<1x1xf32, #tpu.memory_space<vmem>>, vector<1x1xf32>,
    return
  }
  func.func @transform_0(%arg0: i32) -> (i32, i32) {
    %c0_i32 = arith.constant 0 : i32
    %c0_i32_0 = arith.constant 0 : i32
    return %arg0, %c0_i32 : i32, i32
  }
  func.func @transform_1(%arg0: i32) -> (i32, i32) {
    %c0_i32 = arith.constant 0 : i32
    %c0_i32_0 = arith.constant 0 : i32
    %c0_i32_1 = arith.constant 0 : i32
    return %c0_i32, %c0_i32_0 : i32, i32
  }
  func.func @transform_2(%arg0: i32) -> (i32, i32) {
    %c0_i32 = arith.constant 0 : i32
    %c0_i32_0 = arith.constant 0 : i32
    return %arg0, %c0_i32 : i32, i32
  }
  func.func @transform_3(%arg0: i32) -> (i32, i32) {
    %c0_i32 = arith.constant 0 : i32
    %c0_i32_0 = arith.constant 0 : i32
    %c0_i32_1 = arith.constant 0 : i32
    return %c0_i32, %c0_i32_0 : i32, i32
  }
  func.func @transform_4(%arg0: i32) -> (i32, i32, i32) {
    %c0_i32 = arith.constant 0 : i32
    %c0_i32_0 = arith.constant 0 : i32
    %c0_i32_1 = arith.constant 0 : i32
    return %arg0, %c0_i32, %c0_i32_0 : i32, i32, i32
  }
  func.func @transform_5(%arg0: i32) -> (i32, i32) {
    %c0_i32 = arith.constant 0 : i32
    %c0_i32_0 = arith.constant 0 : i32
    %c0_i32_1 = arith.constant 0 : i32
    return %c0_i32, %c0_i32_0 : i32, i32
  }
}

</mosaic_0001>

<sc_bundles>
// kernel: kernel.4.cloned.1.call-start
scs
__scs_entry_jumppad:
0x0: {  	(pc) =	sbr.rel $0x88, $3  }
0x1: {  	(tag) =	ssettag $0x0;
	lr =	simm.s32 $0x1  }
0x2: {  	[smem:$0x3F9F] =	sst lr;
	_ =	strace $0xD0000000  }
0x3: {  	_ = 	snop  }
0x4: {  	_ = 	snop  }
0x5: {  	_ = 	snop  }
0x6: {  	_ = 	snop  }
0x7: {  	_ = 	snop  }
__scs_overlays_trampoline_lowered:
0x8: {  	[smem:$0x3FAE] =	sst s0  }
0x9: {  	[smem:$0x3FAF] =	sst s1  }
0xa: {  	[smem:$0x3FB0] =	sst s2  }
0xb: {  	[smem:$0x3FB1] =	sst s3  }
0xc: {  	[smem:$0x3FB2] =	sst s4  }
0xd: {  	[smem:$0x3FB3] =	sst s5  }
0xe: {  	[smem:$0x3FB4] =	sst s6  }
0xf: {  	[smem:$0x3FB5] =	sst s7  }
0x10: {  	[smem:$0x3FB6] =	sst s8  }
0x11: {  	[smem:$0x3FB7] =	sst s9;
	s0 =	simm.s32 @!p0 $0x0  }
0x12: {  	s1 =	sld [smem:$0x3F9D];
	s0 =	simm.s32 @p0 $0x1  }
0x13: {  	[smem:$0x3FB8] =	sst s0;
	s0 =	simm.s32 @!p1 $0x0  }
0x14: {  	s2 =	sld [smem:$0x3F9C];
	s0 =	simm.s32 @p1 $0x1  }
0x15: {  	[smem:$0x3FB9] =	sst s0;
	s0 =	simm.s32 @!p2 $0x0  }
0x16: {  	s3 =	sld [smem:$0x3FDB];
	s0 =	simm.s32 @p2 $0x1  }
0x17: {  	s4 =	simm.s32 $0x1BF5;
	[smem:$0x3FBB] =	sst s0  }
0x18: {  	s0 =	sld [smem:$0x3F9E];
	_ =	swait.ge [sflag:s4], $0x0  }
0x19: {  	s7 =	sld [smem:$0x3F9F]  }
0x1a: {  	s8 =	sadd.s32 $0xFFFFE003, lr  }
0x1b: {  	s9 =	sadd.s32 $0xFFFFFEF7, lr;
	s5 =	simm.s32 $0xFFFFFFFF;
	p2 =	slt.u32 s8, $0xFFFFF086  }
0x1c: {  	p1 =	slt.u32 s9, $0xF7A;
	s5 =	simm.s32 @!p2 $0x0  }
0x1d: {  	s5 =	simm.s32 @p1 $0x1;
	p0 =	seq.s32 s7, s2  }
0x1e: {  	s7 =	smul.u32 @!p0 $0xF7A, s2;
	p2 =	seq.s32 @!p0 s5, $0x0  }
0x1f: {  	s9 =	smul.u32 $0xF7A, s1;
	s8 =	simm.s32 @!p0 $0x1BF5;
	p2 =	por !p2, p0  }
0x20: {  	[sflag:s8] =	ssyncset.s32 @!p0 $0xFFFFF086;
	s6 =	sadd.s32 @!p0 s3, s7;
	s7 =	simm.s32 @!p0 $0x108  }
0x21: {  	s3 =	sadd.s32 s3, s9;
	s6 =	sadd.s32 @!p0 $0x88, s6;
	s7 =	simm.s32 @p2 $0x1082  }
0x22: {  	[simem:s7], [sflag:s8] =	dma.local @!p0 [hbm:s6], $0xF7A  }
0x23: {  	s9 =	sor.u32 $0xD0000000, s2;
	s6 =	simm.s32 $0x108;
	_ =	swait.ge @!p0 [sflag:s8], $0x0  }
0x24: {  	s3 =	sadd.s32 $0x88, s3;
	s6 =	simm.s32 @!p1 $0x1082;
	[sflag:s4] =	ssyncset.s32 $0xFFFFF086  }
0x25: {  	[simem:s6], [sflag:s4] =	dma.local [hbm:s3], $0xF7A  }
0x26: {  	[smem:$0x3F9F] =	sst s1;
	(tag) =	ssettag s2;
	_ =	strace s9  }
0x27: {  	s1 =	sld [smem:$0x3FAF]  }
0x28: {  	s2 =	sld [smem:$0x3FB0]  }
0x29: {  	s4 =	sld [smem:$0x3FB2]  }
0x2a: {  	p0 =	seq.s32 s5, $0x0;
	s5 =	sld [smem:$0x3FB3]  }
0x2b: {  	s6 =	sld [smem:$0x3FB4]  }
0x2c: {  	s7 =	sld [smem:$0x3FB5]  }
0x2d: {  	s3 =	simm.s32 $0x108;
	s8 =	sld [smem:$0x3FB6]  }
0x2e: {  	s3 =	simm.s32 @!p0 $0x1082;
	s9 =	sld [smem:$0x3FB7]  }
0x2f: {  	lr =	sadd.s32 s0, s3;
	s0 =	sld [smem:$0x3FAE]  }
0x30: {  	s3 =	sld [smem:$0x3FB1]  }
0x31: {  	[smem:$0x3FBA] =	sst s10  }
0x32: {  	s10 =	sld [smem:$0x3FB8];
	_ =	sdelay $0x3  }
0x33: {  	p0 =	seq.s32 s10, $0x1;
	s10 =	sld [smem:$0x3FBA];
	_ =	sdelay $0x3  }
0x34: {  	[smem:$0x3FBA] =	sst s10  }
0x35: {  	s10 =	sld [smem:$0x3FB9];
	_ =	sdelay $0x3  }
0x36: {  	p1 =	seq.s32 s10, $0x1;
	s10 =	sld [smem:$0x3FBA];
	_ =	sdelay $0x3  }
0x37: {  	[smem:$0x3FBA] =	sst s10  }
0x38: {  	s10 =	sld [smem:$0x3FBB]  }
0x39: {  	_ = 	snop;
	(pc) =	sbr.ind lr, $3  }
0x3a: {  	_ = 	snop  }
0x3b: {  	_ = 	snop  }
0x3c: {  	p2 =	seq.s32 s10, $0x1;
	s10 =	sld [smem:$0x3FBA]  }
0x3d: {  	_ =	shalt  }
0x3e: {  	_ =	shalt  }
0x3f: {  	_ =	shalt  }
0x40: {  	_ =	shalt  }
0x41: {  	_ =	shalt  }
0x42: {  	_ =	shalt  }
0x43: {  	_ =	shalt  }
0x44: {  	_ =	shalt  }
0x45: {  	_ =	shalt  }
0x46: {  	_ =	shalt  }
0x47: {  	_ =	shalt  }
0x48: {  	_ =	shalt  }
0x49: {  	_ =	shalt  }
0x4a: {  	_ =	shalt  }
0x4b: {  	_ =	shalt  }
0x4c: {  	_ =	shalt  }
0x4d: {  	_ =	shalt  }
0x4e: {  	_ =	shalt  }
0x4f: {  	_ =	shalt  }
0x50: {  	_ =	shalt  }
0x51: {  	_ =	shalt  }
0x52: {  	_ =	shalt  }
0x53: {  	_ =	shalt  }
0x54: {  	_ =	shalt  }
0x55: {  	_ =	shalt  }
0x56: {  	_ =	shalt  }
0x57: {  	_ =	shalt  }
0x58: {  	_ =	shalt  }
0x59: {  	_ =	shalt  }
0x5a: {  	_ =	shalt  }
0x5b: {  	_ =	shalt  }
0x5c: {  	_ =	shalt  }
0x5d: {  	_ =	shalt  }
0x5e: {  	_ =	shalt  }
0x5f: {  	_ =	shalt  }
0x60: {  	_ =	shalt  }
0x61: {  	_ =	shalt  }
0x62: {  	_ =	shalt  }
0x63: {  	_ =	shalt  }
0x64: {  	_ =	shalt  }
0x65: {  	_ =	shalt  }
0x66: {  	_ =	shalt  }
0x67: {  	_ =	shalt  }
0x68: {  	_ =	shalt  }
0x69: {  	_ =	shalt  }
0x6a: {  	_ =	shalt  }
0x6b: {  	_ =	shalt  }
0x6c: {  	_ =	shalt  }
0x6d: {  	_ =	shalt  }
0x6e: {  	_ =	shalt  }
0x6f: {  	_ =	shalt  }
0x70: {  	_ =	shalt  }
0x71: {  	_ =	shalt  }
0x72: {  	_ =	shalt  }
0x73: {  	_ =	shalt  }
0x74: {  	_ =	shalt  }
0x75: {  	_ =	shalt  }
0x76: {  	_ =	shalt  }
0x77: {  	_ =	shalt  }
0x78: {  	_ =	shalt  }
0x79: {  	_ =	shalt  }
0x7a: {  	_ =	shalt  }
0x7b: {  	_ =	shalt  }
0x7c: {  	_ =	shalt  }
0x7d: {  	_ =	shalt  }
0x7e: {  	_ =	shalt  }
0x7f: {  	_ =	shalt  }
0x80: {  	_ =	shalt  }
0x81: {  	_ =	shalt  }
0x82: {  	_ =	shalt  }
0x83: {  	_ =	shalt  }
0x84: {  	_ =	shalt  }
0x85: {  	_ =	shalt  }
0x86: {  	_ =	shalt  }
0x87: {  	_ =	shalt  }
.Lfunc_end0:
.L_simem_size_0:
called_computation_lowered:
.L_overlay_start_0:
0x88: {  	s2 =	sld [smem:$0x3FD9]  }
0x89: {  	s3 =	sld [smem:$0x3FFE];
	_ =	sdelay $0x1  }
0x8a: {  	s1 =	srdreg.scid  }
0x8b: {  	s0 =	sand.u32 $0x1, s1  }
0x8c: {  	s14 =	sshll.u32 s0, $0xA;
	s2 =	sadd.s32 s3, s2  }
0x8d: {  	s2 =	sadd.s32 s2, s14  }
0x8e: {  	[smem:$0x3FC6] =	sst s2  }
0x8f: {  	_ = 	snop  }
0x90: {  	s2 =	sld [smem:$0x3FD0];
	_ =	sdelay $0x2  }
0x91: {  	s4 =	simm.s32 $0xA;
	s5 =	simm.s32 $0x10;
	s15 =	sld [smem:$0x3FC8]  }
0x92: {  	[smem:s5], [sflag:s4] =	dma.local [hbm:s2], $0x1  }
0x93: {  	_ =	swait.eq [sflag:s4], $0x1  }
0x94: {  	[sflag:s4] =	ssyncset.done $0x0  }
0x95: {  	[sflag:s4] =	ssyncadd.s32 $0xFFFFFFFF  }
0x96: {  	s16 =	sld [smem:$0x10];
	(tm) =	ssettm $0x1  }
0x97: {  	s17 =	sld [smem:$0x3FFB];
	_ =	sdelay $0x3  }
0x98: {  	_ =	strace s17  }
0x99: {  	s4 =	sld [smem:$0x3FFC];
	_ =	sdelay $0x3  }
0x9a: {  	_ =	strace s4  }
0x9b: {  	s4 =	sld [smem:$0x3FFD];
	_ =	sdelay $0x3  }
0x9c: {  	_ =	strace s4  }
0x9d: {  	_ =	strace $0x8FFFFFFF  }
0x9e: {  	s18 =	sld [smem:$0x3FDB];
	_ =	sdelay $0x1  }
0x9f: {  	s19 =	simm.s32 $_scs_section_size  }
0xa0: {  	s6 =	simm.s32 $_size__tile_overlayer_lowered;
	s7 =	simm.s32 $_tile_overlayer_lowered  }
0xa1: {  	s22 =	simm.s32 $0x1BFF;
	s21 =	sshll.u32 s7, $0x1;
	s4 =	sadd.s32 s19, s18  }
0xa2: {  	s8 =	simm.s32 $0x0;
	s20 =	sshll.u32 s6, $0x1;
	s6 =	sadd.s32 s21, s4  }
0xa3: {  	[timem:s8], [sflag:s22] =	dma.local [hbm:s6], s20  }
0xa4: {  	_ =	swait.ge [sflag:s22], s20  }
0xa5: {  	s5 =	ssub.s32 $0x0, s20;
	[sflag:s22] =	ssyncset.done $0x0  }
0xa6: {  	[sflag:s22] =	ssyncadd.s32 s5;
	_ =	sdelay $0x1  }
0xa7: {  	s23 =	simm.s32 $0x1B8B  }
0xa8: {  	_ =	swait.ge [sflag:s23], $0x1  }
0xa9: {  	[sflag:s23] =	ssyncset.done $0x0  }
0xaa: {  	s25 =	simm.s32 $0x1B8E;
	s24 =	sld [smem:$0x3FFE];
	[sflag:s23] =	ssyncadd.s32 $0xFFFFFFFF  }
0xab: {  	s26 =	simm.s32 $execute0_lowered;
	[smem:$0x3FD2] =	sst s25  }
0xac: {  	s6 =	sshll.u32 s26, $0x1;
	_ =	strace $0x80000046;
	[dreg:$0x1] =	wrdreg $0xFFFFFFFF  }
0xad: {  	s28 =	simm.s32 $_size_execute0_lowered;
	s4 =	sadd.s32 s4, s6;
	[dreg:$0x0] =	wrdreg $0x0  }
0xae: {  	s6 =	sshll.u32 s28, $0x1;
	[dreg:$0x2] =	wrdreg s4  }
0xaf: {  	[dreg:$0x3] =	wrdreg s6  }
0xb0: {  	[dreg:$0x4] =	wrdreg $0xC0  }
0xb1: {  	_ =	task [dreg:s8], $0x5FFFF  }
0xb2: {  	[dreg:$0x1] =	wrdreg $0xFFFFFFFF  }
0xb3: {  	[dreg:$0x0] =	wrdreg $0x60  }
0xb4: {  	[dreg:$0x2] =	wrdreg s15  }
0xb5: {  	[dreg:$0x3] =	wrdreg s24  }
0xb6: {  	[dreg:$0x4] =	wrdreg s16  }
0xb7: {  	[dreg:$0x5] =	wrdreg $0x9  }
0xb8: {  	_ =	task.clear_ibuf [dreg:s8], $0x6FFFF;
	_ =	strace $0x90000046  }
0xb9: {  	s29 =	simm.s32 $0x9;
	_ =	strace $0x80000048  }
0xba: {  	_ =	swait.ge [sflag:s29], $0x1  }
0xbb: {  	[sflag:s29] =	ssyncadd.s32 $0xFFFFFFFF  }
0xbc: {  	_ =	strace $0x90000048  }
0xbd: {  	_ =	sfence  }
0xbe: {  	s30 =	sld [smem:$0x0];
	_ =	sdelay $0x2  }
0xbf: {  	s31 =	sshll.u32 s1, $0xD;
	s1 =	sshrl.u32 s1, $0x2  }
0xc0: {  	s3 =	sand.u32 $0x4000, s31;
	s1 =	sadd.s32 s1, s30  }
0xc1: {  	s0 =	sor.u32 s3, s0;
	s1 =	sshll.u32 s1, $0x11  }
0xc2: {  	s0 =	sor.u32 s1, s0  }
0xc3: {  	s0 =	sadd.s32 $0x8F2B, s0  }
0xc4: {  	[sflag:s0] =	ssyncadd.remote.s32 $0x1  }
0xc5: {  	_ =	sfence.sel $0xFFFF  }
0xc6: {  	[dreg:$0x0] =	wrdreg $0xFFFFFFFF;
	(pc) =	sbr.abs _section_cstart, $3  }
0xc7: {  	[dreg:$0x1] =	wrdreg $0xFFFFFFFF  }
0xc8: {  	_ =	task.clear_ibuf [dreg:s8], $0x2FFFF;
	_ =	strace $0x9FFFFFFF  }
0xc9: {  	(tm) =	ssettm $0x7FFFFFFF  }
tec
execute0_lowered:
.L_overlay_start_1:
0x0: {  	(tag) =	ssettag $0x1  }
0x1: {  	s1 =	rddreg [dreg:$0x0]  }
0x2: {  	s2 =	rddreg [dreg:$0x1];
	s3 =	srdreg.scid  }
0x3: {  	s0 =	stileid.u32;
	s4 =	rddreg [dreg:$0x2];
	s18 =	simm.s32 $0x900  }
0x4: {  	s19 =	simm.s32 $0x1100;
	s20 =	simm.s32 $0x1900;
	s21 =	simm.s32 $0x2100  }
0x5: {  	s22 =	simm.s32 $0x2900;
	s24 =	simm.s32 $0x3100;
	s25 =	simm.s32 $0x3900  }
0x6: {  	s26 =	simm.s32 $0x4100;
	s9 =	simm.s32 $0x5100;
	s10 =	simm.s32 $0x5900  }
0x7: {  	s11 =	simm.s32 $0x6100;
	s5 =	sand.u32 $0x1, s3;
	s3 =	simm.s32 $0x0  }
0x8: {  	s12 =	simm.s32 $0x6900;
	s13 =	simm.s32 $0x7100;
	[smem:$0x7FF] =	sst s3  }
0x9: {  	s14 =	simm.s32 $0x7900;
	_ =	strace $0x80000047;
	[dreg:$0x6] =	wrdreg s18  }
0xa: {  	s15 =	simm.s32 $0x8100;
	s16 =	simm.s32 $0x8900;
	[dreg:$0x7] =	wrdreg s19  }
0xb: {  	s28 =	simm.s32 $0xE100;
	s29 =	simm.s32 $0xE900;
	[dreg:$0x8] =	wrdreg s20  }
0xc: {  	s30 =	simm.s32 $0xF100;
	s6 =	sshll.u32 s0, $0x1;
	[dreg:$0x9] =	wrdreg s21  }
0xd: {  	s31 =	simm.s32 $0xF900;
	s6 =	sor.u32 s5, s6;
	[dreg:$0xa] =	wrdreg s22  }
0xe: {  	s5 =	ssub.s32 $0x2, s5;
	s7 =	sshll.u32 s6, $0x5;
	[dreg:$0xb] =	wrdreg s24  }
0xf: {  	s6 =	sshll.u32 s6, $0xD;
	s23 =	sshrl.u32 s5, $0x1;
	[dreg:$0xc] =	wrdreg s25  }
0x10: {  	[dreg:$0xd] =	wrdreg s26;
	s18 =	simm.s32 $0x9900;
	s19 =	simm.s32 $0xA100  }
0x11: {  	s20 =	simm.s32 $0xA900;
	s21 =	simm.s32 $0xB100;
	s22 =	simm.s32 $0xB900  }
0x12: {  	s24 =	simm.s32 $0xC900;
	s25 =	simm.s32 $0xD100;
	s26 =	simm.s32 $0xD900  }
0x13: {  	s2 =	sadd.s32 s2, s7;
	s4 =	sadd.s32 s4, s6;
	s5 =	ssub.s32 s5, s23  }
0x14: {  	v2 =	vlaneseq.u32;
	s6 =	simm.s32 $0x2;
	s7 =	simm.s32 $0x100;
	s23 =	simm.s32 $0xC100  }
0x15: {  	vm0 =	vmmov $0xffff;
	v1 =	vshrl.u32 v2, $0x3;
	[dreg:$0x4] =	wrdreg s2;
	s17 =	sadd.s32 $0x1000, s4;
	s5 =	smax.u32 s5, $0x1  }
0x16: {  	v0 =	vand.u32 $0x7, v2;
	v2 =	vor.u32 $0x8, v2;
	v1 =	vmul.u32 $0x8, v1;
	s2 =	simm.s32 $0x1;
	[dreg:$0x5] =	wrdreg s17;
	s17 =	simm.s32 $0x9100  }
.LBB2_1:
0x17: {  	s0 =	rddreg [dreg:$0x4]  }
0x18: {  	[tilespmem:s3], [sflag:$0x2] =	stream.linear.gather [hbm4b:s0+s3], $0x100, $0x38;
	[tilespmem:$0x10100] =	vst v63  }
0x19: {  	_ =	swait.ge [sflag:s6], $0x100  }
0x1a: {  	[sflag:s6] =	ssyncset.done $0x0  }
0x1b: {  	[sflag:s6] =	ssyncadd.s32 $0xFFFFFF00  }
0x1c: {  	v3 =	vld [tilespmem:$0x0];
	_ =	sdelay $0x4  }
0x1d: {  	v4 =	vshll.u32 v3, $0x1  }
0x1e: {  	v3 =	vand.u32 $0x7, v3;
	v4 =	vand.u32 $0xFFFFFFF0, v4  }
0x1f: {  	v3 =	vor.u32 v3, v4  }
0x20: {  	v4 =	vperm.xlane v3, v0;
	_ =	sdelay $0x1  }
0x21: {  	v3 =	vperm.xlane v3, v2;
	v4 =	vadd.s32 v1, v4;
	_ =	sdelay $0x1  }
0x22: {  	v3 =	vadd.s32 v1, v3;
	_ =	sdelay $0x2  }
0x23: {  	[tilespmem:s7], [sflag:$0x1] =	stream.indirect_vreg.gather [hbm4b:s1+s3], $0x80, v4, vm0, $0xb8;
	[tilespmem:$0x10100] =	vst v63  }
0x24: {  	s8 =	rddreg [dreg:$0x6]  }
0x25: {  	[tilespmem:s8], [sflag:$0x1] =	stream.indirect_vreg.gather [hbm4b:s1+s3], $0x80, v3, vm0, $0xb8;
	[tilespmem:$0x10100] =	vst v63  }
0x26: {  	v3 =	vld [tilespmem:$0x10];
	_ =	sdelay $0x4  }
0x27: {  	v49 =	vshll.u32 v3, $0x1  }
0x28: {  	v3 =	vand.u32 $0x7, v3;
	v4 =	vand.u32 $0xFFFFFFF0, v49  }
0x29: {  	v3 =	vor.u32 v3, v4  }
0x2a: {  	v4 =	vperm.xlane v3, v0;
	_ =	sdelay $0x1  }
0x2b: {  	v3 =	vperm.xlane v3, v2;
	v4 =	vadd.s32 v1, v4;
	_ =	sdelay $0x1  }
0x2c: {  	v3 =	vadd.s32 v1, v3;
	_ =	sdelay $0x1  }
0x2d: {  	s0 =	rddreg [dreg:$0x7]  }
0x2e: {  	[tilespmem:s0], [sflag:$0x1] =	stream.indirect_vreg.gather [hbm4b:s1+s3], $0x80, v4, vm0, $0xb8;
	[tilespmem:$0x10100] =	vst v63  }
0x2f: {  	s8 =	rddreg [dreg:$0x8]  }
0x30: {  	[tilespmem:s8], [sflag:$0x1] =	stream.indirect_vreg.gather [hbm4b:s1+s3], $0x80, v3, vm0, $0xb8;
	[tilespmem:$0x10100] =	vst v63  }
0x31: {  	v3 =	vld [tilespmem:$0x20];
	_ =	sdelay $0x4  }
0x32: {  	v50 =	vshll.u32 v3, $0x1  }
0x33: {  	v3 =	vand.u32 $0x7, v3;
	v4 =	vand.u32 $0xFFFFFFF0, v50  }
0x34: {  	v3 =	vor.u32 v3, v4  }
0x35: {  	v4 =	vperm.xlane v3, v0;
	_ =	sdelay $0x1  }
0x36: {  	v3 =	vperm.xlane v3, v2;
	v4 =	vadd.s32 v1, v4;
	_ =	sdelay $0x1  }
0x37: {  	v3 =	vadd.s32 v1, v3;
	_ =	sdelay $0x1  }
0x38: {  	s0 =	rddreg [dreg:$0x9]  }
0x39: {  	[tilespmem:s0], [sflag:$0x1] =	stream.indirect_vreg.gather [hbm4b:s1+s3], $0x80, v4, vm0, $0xb8;
	[tilespmem:$0x10100] =	vst v63  }
0x3a: {  	s8 =	rddreg [dreg:$0xa]  }
0x3b: {  	[tilespmem:s8], [sflag:$0x1] =	stream.indirect_vreg.gather [hbm4b:s1+s3], $0x80, v3, vm0, $0xb8;
	[tilespmem:$0x10100] =	vst v63  }
0x3c: {  	v3 =	vld [tilespmem:$0x30];
	_ =	sdelay $0x4  }
0x3d: {  	v51 =	vshll.u32 v3, $0x1  }
0x3e: {  	v3 =	vand.u32 $0x7, v3;
	v4 =	vand.u32 $0xFFFFFFF0, v51  }
0x3f: {  	v3 =	vor.u32 v3, v4  }
0x40: {  	v4 =	vperm.xlane v3, v0;
	_ =	sdelay $0x1  }
0x41: {  	v3 =	vperm.xlane v3, v2;
	v4 =	vadd.s32 v1, v4;
	_ =	sdelay $0x1  }
0x42: {  	v3 =	vadd.s32 v1, v3;
	_ =	sdelay $0x1  }
0x43: {  	s0 =	rddreg [dreg:$0xb]  }
0x44: {  	[tilespmem:s0], [sflag:$0x1] =	stream.indirect_vreg.gather [hbm4b:s1+s3], $0x80, v4, vm0, $0xb8;
	[tilespmem:$0x10100] =	vst v63  }
0x45: {  	s8 =	rddreg [dreg:$0xc]  }
0x46: {  	[tilespmem:s8], [sflag:$0x1] =	stream.indirect_vreg.gather [hbm4b:s1+s3], $0x80, v3, vm0, $0xb8;
	[tilespmem:$0x10100] =	vst v63  }
0x47: {  	v3 =	vld [tilespmem:$0x40];
	_ =	sdelay $0x4  }
0x48: {  	v52 =	vshll.u32 v3, $0x1  }
0x49: {  	v3 =	vand.u32 $0x7, v3;
	v4 =	vand.u32 $0xFFFFFFF0, v52  }
0x4a: {  	v3 =	vor.u32 v3, v4  }
0x4b: {  	v4 =	vperm.xlane v3, v0;
	_ =	sdelay $0x1  }
0x4c: {  	v3 =	vperm.xlane v3, v2;
	v4 =	vadd.s32 v1, v4;
	_ =	sdelay $0x1  }
0x4d: {  	v3 =	vadd.s32 v1, v3;
	_ =	sdelay $0x1  }
0x4e: {  	s8 =	rddreg [dreg:$0xd]  }
0x4f: {  	[tilespmem:s8], [sflag:$0x1] =	stream.indirect_vreg.gather [hbm4b:s1+s3], $0x80, v4, vm0, $0xb8;
	[tilespmem:$0x10100] =	vst v63  }
0x50: {  	s8 =	simm.s32 $0x4900  }
0x51: {  	[tilespmem:s8], [sflag:$0x1] =	stream.indirect_vreg.gather [hbm4b:s1+s3], $0x80, v3, vm0, $0xb8;
	[tilespmem:$0x10100] =	vst v63  }
0x52: {  	v3 =	vld [tilespmem:$0x50];
	_ =	sdelay $0x4  }
0x53: {  	v53 =	vshll.u32 v3, $0x1  }
0x54: {  	v3 =	vand.u32 $0x7, v3;
	v4 =	vand.u32 $0xFFFFFFF0, v53  }
0x55: {  	v3 =	vor.u32 v3, v4  }
0x56: {  	v4 =	vperm.xlane v3, v0;
	_ =	sdelay $0x1  }
0x57: {  	v3 =	vperm.xlane v3, v2;
	v4 =	vadd.s32 v1, v4;
	_ =	sdelay $0x1  }
0x58: {  	v3 =	vadd.s32 v1, v3;
	_ =	sdelay $0x2  }
0x59: {  	[tilespmem:s9], [sflag:$0x1] =	stream.indirect_vreg.gather [hbm4b:s1+s3], $0x80, v4, vm0, $0xb8;
	[tilespmem:$0x10100] =	vst v63  }
0x5a: {  	_ = 	snop  }
0x5b: {  	[tilespmem:s10], [sflag:$0x1] =	stream.indirect_vreg.gather [hbm4b:s1+s3], $0x80, v3, vm0, $0xb8;
	[tilespmem:$0x10100] =	vst v63  }
0x5c: {  	v3 =	vld [tilespmem:$0x60];
	_ =	sdelay $0x4  }
0x5d: {  	v54 =	vshll.u32 v3, $0x1  }
0x5e: {  	v3 =	vand.u32 $0x7, v3;
	v4 =	vand.u32 $0xFFFFFFF0, v54  }
0x5f: {  	v3 =	vor.u32 v3, v4  }
0x60: {  	v4 =	vperm.xlane v3, v0;
	_ =	sdelay $0x1  }
0x61: {  	v3 =	vperm.xlane v3, v2;
	v4 =	vadd.s32 v1, v4;
	_ =	sdelay $0x1  }
0x62: {  	v3 =	vadd.s32 v1, v3;
	_ =	sdelay $0x2  }
0x63: {  	[tilespmem:s11], [sflag:$0x1] =	stream.indirect_vreg.gather [hbm4b:s1+s3], $0x80, v4, vm0, $0xb8;
	[tilespmem:$0x10100] =	vst v63  }
0x64: {  	_ = 	snop  }
0x65: {  	[tilespmem:s12], [sflag:$0x1] =	stream.indirect_vreg.gather [hbm4b:s1+s3], $0x80, v3, vm0, $0xb8;
	[tilespmem:$0x10100] =	vst v63  }
0x66: {  	v3 =	vld [tilespmem:$0x70];
	_ =	sdelay $0x4  }
0x67: {  	v55 =	vshll.u32 v3, $0x1  }
0x68: {  	v3 =	vand.u32 $0x7, v3;
	v4 =	vand.u32 $0xFFFFFFF0, v55  }
0x69: {  	v3 =	vor.u32 v3, v4  }
0x6a: {  	v4 =	vperm.xlane v3, v0;
	_ =	sdelay $0x1  }
0x6b: {  	v3 =	vperm.xlane v3, v2;
	v4 =	vadd.s32 v1, v4;
	_ =	sdelay $0x1  }
0x6c: {  	v3 =	vadd.s32 v1, v3;
	_ =	sdelay $0x2  }
0x6d: {  	[tilespmem:s13], [sflag:$0x1] =	stream.indirect_vreg.gather [hbm4b:s1+s3], $0x80, v4, vm0, $0xb8;
	[tilespmem:$0x10100] =	vst v63  }
0x6e: {  	_ = 	snop  }
0x6f: {  	[tilespmem:s14], [sflag:$0x1] =	stream.indirect_vreg.gather [hbm4b:s1+s3], $0x80, v3, vm0, $0xb8;
	[tilespmem:$0x10100] =	vst v63  }
0x70: {  	v3 =	vld [tilespmem:$0x80];
	_ =	sdelay $0x4  }
0x71: {  	v56 =	vshll.u32 v3, $0x1  }
0x72: {  	v3 =	vand.u32 $0x7, v3;
	v4 =	vand.u32 $0xFFFFFFF0, v56  }
0x73: {  	v3 =	vor.u32 v3, v4  }
0x74: {  	v4 =	vperm.xlane v3, v0;
	_ =	sdelay $0x1  }
0x75: {  	v3 =	vperm.xlane v3, v2;
	v4 =	vadd.s32 v1, v4;
	_ =	sdelay $0x1  }
0x76: {  	v3 =	vadd.s32 v1, v3;
	_ =	sdelay $0x2  }
0x77: {  	[tilespmem:s15], [sflag:$0x1] =	stream.indirect_vreg.gather [hbm4b:s1+s3], $0x80, v4, vm0, $0xb8;
	[tilespmem:$0x10100] =	vst v63  }
0x78: {  	_ = 	snop  }
0x79: {  	[tilespmem:s16], [sflag:$0x1] =	stream.indirect_vreg.gather [hbm4b:s1+s3], $0x80, v3, vm0, $0xb8;
	[tilespmem:$0x10100] =	vst v63  }
0x7a: {  	v3 =	vld [tilespmem:$0x90];
	_ =	sdelay $0x4  }
0x7b: {  	v57 =	vshll.u32 v3, $0x1  }
0x7c: {  	v3 =	vand.u32 $0x7, v3;
	v4 =	vand.u32 $0xFFFFFFF0, v57  }
0x7d: {  	v3 =	vor.u32 v3, v4  }
0x7e: {  	v4 =	vperm.xlane v3, v0;
	_ =	sdelay $0x1  }
0x7f: {  	v3 =	vperm.xlane v3, v2;
	v4 =	vadd.s32 v1, v4;
	_ =	sdelay $0x1  }
0x80: {  	v3 =	vadd.s32 v1, v3;
	_ =	sdelay $0x2  }
0x81: {  	[tilespmem:s17], [sflag:$0x1] =	stream.indirect_vreg.gather [hbm4b:s1+s3], $0x80, v4, vm0, $0xb8;
	[tilespmem:$0x10100] =	vst v63  }
0x82: {  	_ = 	snop  }
0x83: {  	[tilespmem:s18], [sflag:$0x1] =	stream.indirect_vreg.gather [hbm4b:s1+s3], $0x80, v3, vm0, $0xb8;
	[tilespmem:$0x10100] =	vst v63  }
0x84: {  	v3 =	vld [tilespmem:$0xA0];
	_ =	sdelay $0x4  }
0x85: {  	v58 =	vshll.u32 v3, $0x1  }
0x86: {  	v3 =	vand.u32 $0x7, v3;
	v4 =	vand.u32 $0xFFFFFFF0, v58  }
0x87: {  	v3 =	vor.u32 v3, v4  }
0x88: {  	v4 =	vperm.xlane v3, v0;
	_ =	sdelay $0x1  }
0x89: {  	v3 =	vperm.xlane v3, v2;
	v4 =	vadd.s32 v1, v4;
	_ =	sdelay $0x1  }
0x8a: {  	v3 =	vadd.s32 v1, v3;
	_ =	sdelay $0x2  }
0x8b: {  	[tilespmem:s19], [sflag:$0x1] =	stream.indirect_vreg.gather [hbm4b:s1+s3], $0x80, v4, vm0, $0xb8;
	[tilespmem:$0x10100] =	vst v63  }
0x8c: {  	_ = 	snop  }
0x8d: {  	[tilespmem:s20], [sflag:$0x1] =	stream.indirect_vreg.gather [hbm4b:s1+s3], $0x80, v3, vm0, $0xb8;
	[tilespmem:$0x10100] =	vst v63  }
0x8e: {  	v3 =	vld [tilespmem:$0xB0];
	_ =	sdelay $0x4  }
0x8f: {  	v59 =	vshll.u32 v3, $0x1  }
0x90: {  	v3 =	vand.u32 $0x7, v3;
	v4 =	vand.u32 $0xFFFFFFF0, v59  }
0x91: {  	v3 =	vor.u32 v3, v4  }
0x92: {  	v4 =	vperm.xlane v3, v0;
	_ =	sdelay $0x1  }
0x93: {  	v3 =	vperm.xlane v3, v2;
	v4 =	vadd.s32 v1, v4;
	_ =	sdelay $0x1  }
0x94: {  	v3 =	vadd.s32 v1, v3;
	_ =	sdelay $0x2  }
0x95: {  	[tilespmem:s21], [sflag:$0x1] =	stream.indirect_vreg.gather [hbm4b:s1+s3], $0x80, v4, vm0, $0xb8;
	[tilespmem:$0x10100] =	vst v63  }
0x96: {  	_ = 	snop  }
0x97: {  	[tilespmem:s22], [sflag:$0x1] =	stream.indirect_vreg.gather [hbm4b:s1+s3], $0x80, v3, vm0, $0xb8;
	[tilespmem:$0x10100] =	vst v63  }
0x98: {  	v3 =	vld [tilespmem:$0xC0];
	_ =	sdelay $0x4  }
0x99: {  	v60 =	vshll.u32 v3, $0x1  }
0x9a: {  	v3 =	vand.u32 $0x7, v3;
	v4 =	vand.u32 $0xFFFFFFF0, v60  }
0x9b: {  	v3 =	vor.u32 v3, v4  }
0x9c: {  	v4 =	vperm.xlane v3, v0;
	_ =	sdelay $0x1  }
0x9d: {  	v3 =	vperm.xlane v3, v2;
	v4 =	vadd.s32 v1, v4;
	_ =	sdelay $0x1  }
0x9e: {  	v3 =	vadd.s32 v1, v3;
	_ =	sdelay $0x2  }
0x9f: {  	[tilespmem:s23], [sflag:$0x1] =	stream.indirect_vreg.gather [hbm4b:s1+s3], $0x80, v4, vm0, $0xb8;
	[tilespmem:$0x10100] =	vst v63  }
0xa0: {  	_ = 	snop  }
0xa1: {  	[tilespmem:s24], [sflag:$0x1] =	stream.indirect_vreg.gather [hbm4b:s1+s3], $0x80, v3, vm0, $0xb8;
	[tilespmem:$0x10100] =	vst v63  }
0xa2: {  	v3 =	vld [tilespmem:$0xD0];
	_ =	sdelay $0x4  }
0xa3: {  	v61 =	vshll.u32 v3, $0x1  }
0xa4: {  	v3 =	vand.u32 $0x7, v3;
	v4 =	vand.u32 $0xFFFFFFF0, v61  }
0xa5: {  	v3 =	vor.u32 v3, v4  }
0xa6: {  	v4 =	vperm.xlane v3, v0;
	_ =	sdelay $0x1  }
0xa7: {  	v3 =	vperm.xlane v3, v2;
	v4 =	vadd.s32 v1, v4;
	_ =	sdelay $0x1  }
0xa8: {  	v3 =	vadd.s32 v1, v3;
	_ =	sdelay $0x2  }
0xa9: {  	[tilespmem:s25], [sflag:$0x1] =	stream.indirect_vreg.gather [hbm4b:s1+s3], $0x80, v4, vm0, $0xb8;
	[tilespmem:$0x10100] =	vst v63  }
0xaa: {  	_ = 	snop  }
0xab: {  	[tilespmem:s26], [sflag:$0x1] =	stream.indirect_vreg.gather [hbm4b:s1+s3], $0x80, v3, vm0, $0xb8;
	[tilespmem:$0x10100] =	vst v63  }
0xac: {  	v3 =	vld [tilespmem:$0xE0];
	_ =	sdelay $0x4  }
0xad: {  	v62 =	vshll.u32 v3, $0x1  }
0xae: {  	v3 =	vand.u32 $0x7, v3;
	v4 =	vand.u32 $0xFFFFFFF0, v62  }
0xaf: {  	v3 =	vor.u32 v3, v4  }
0xb0: {  	v4 =	vperm.xlane v3, v0;
	_ =	sdelay $0x1  }
0xb1: {  	v3 =	vperm.xlane v3, v2;
	v4 =	vadd.s32 v1, v4;
	_ =	sdelay $0x1  }
0xb2: {  	v3 =	vadd.s32 v1, v3;
	_ =	sdelay $0x2  }
0xb3: {  	[tilespmem:s28], [sflag:$0x1] =	stream.indirect_vreg.gather [hbm4b:s1+s3], $0x80, v4, vm0, $0xb8;
	[tilespmem:$0x10100] =	vst v63  }
0xb4: {  	_ = 	snop  }
0xb5: {  	[tilespmem:s29], [sflag:$0x1] =	stream.indirect_vreg.gather [hbm4b:s1+s3], $0x80, v3, vm0, $0xb8;
	[tilespmem:$0x10100] =	vst v63  }
0xb6: {  	v3 =	vld [tilespmem:$0xF0];
	_ =	sdelay $0x4  }
0xb7: {  	v63 =	vshll.u32 v3, $0x1  }
0xb8: {  	v3 =	vand.u32 $0x7, v3;
	v4 =	vand.u32 $0xFFFFFFF0, v63  }
0xb9: {  	v3 =	vor.u32 v3, v4  }
0xba: {  	v4 =	vperm.xlane v3, v0;
	_ =	sdelay $0x1  }
0xbb: {  	v3 =	vperm.xlane v3, v2;
	v4 =	vadd.s32 v1, v4;
	_ =	sdelay $0x1  }
0xbc: {  	v3 =	vadd.s32 v1, v3;
	_ =	sdelay $0x2  }
0xbd: {  	[tilespmem:s30], [sflag:$0x1] =	stream.indirect_vreg.gather [hbm4b:s1+s3], $0x80, v4, vm0, $0xb8;
	[tilespmem:$0x10100] =	vst v63  }
0xbe: {  	_ = 	snop  }
0xbf: {  	[tilespmem:s31], [sflag:$0x1] =	stream.indirect_vreg.gather [hbm4b:s1+s3], $0x80, v3, vm0, $0xb8;
	[tilespmem:$0x10100] =	vst v63  }
0xc0: {  	_ =	swait.ge [sflag:s2], $0x8000  }
0xc1: {  	[sflag:s2] =	ssyncset.done $0x0  }
0xc2: {  	[sflag:s2] =	ssyncadd.s32 $0xFFFF8000  }
0xc3: {  	[hbm4b:s4+s3] =	stream.linear.scatter [tilespmem:s7], [sflag:$0x2], $0x8000, $0x38;
	[tilespmem:$0x10100] =	vst v63  }
0xc4: {  	_ =	swait.ge [sflag:s6], $0x8000  }
0xc5: {  	[sflag:s6] =	ssyncset.done $0x0  }
0xc6: {  	[sflag:s6] =	ssyncadd.s32 $0xFFFF8000  }
0xc7: {  	_ =	swait.ge [sflag:s2], $0x8000  }
0xc8: {  	p0 =	sne.s32 s5, $0x1;
	[sflag:s2] =	ssyncset.done $0x0  }
.Ltmp0:
0xc9: {  	s8 =	rddreg [dreg:$0x5];
	[sflag:s2] =	ssyncadd.s32 $0xFFFF8000;
	(pc) =	sbr.rel @p0 .LBB2_1-.Ltmp0, $4  }
0xca: {  	[hbm4b:s8+s3] =	stream.linear.scatter [tilespmem:s15], [sflag:$0x2], $0x8000, $0x38;
	[tilespmem:$0x10100] =	vst v63  }
0xcb: {  	_ =	swait.ge [sflag:s6], $0x8000  }
0xcc: {  	[sflag:s6] =	ssyncset.done $0x0  }
0xcd: {  	s5 =	sadd.s32 $0xFFFFFFFF, s5;
	[sflag:s6] =	ssyncadd.s32 $0xFFFF8000  }
0xce: {  	_ =	sfence.sel $0x180000  }
0xcf: {  	[bflag:$0x0] =	sbarrier.arrive $0xFFFF  }
0xd0: {  	_ =	strace $0x90000047  }
0xd1: {  	s0 =	stileid.u32;
	[bflag:$0x2] =	sbarrier.arrive $0xFFFF  }
0xd2: {  	p0 =	sne.s32 s0, $0x0;
	s0 =	rddreg [dreg:$0x3]  }
0xd3: {  	s0 =	sadd.s32 @!p0 $0x100000, s0  }
0xd4: {  	[sflag:s0] =	ssyncadd.tile.s32 @!p0 $0x1;
	_ =	shalt  }
.Lfunc_end2:
_tile_overlayer_lowered:
.L_overlay_start_2:
0xd5: {  	(tag) =	ssettag $0x2  }
0xd6: {  	s0 =	rddreg [dreg:$0x0];
	s2 =	stileid.u32  }
0xd7: {  	s1 =	rddreg [dreg:$0x1];
	p0 =	sne.s32 s2, $0x0  }
0xd8: {  	s3 =	rddreg [dreg:$0x2];
	[bflag:$0x3] =	sbarrier.arrive $0xFFFF;
	s2 =	simm.s32 @!p0 $0x1C02  }
0xd9: {  	[timem:s3], [sflag:s2] =	dma.local @!p0 [hbm:s0], s1  }
0xda: {  	s0 =	simm.s32 @!p0 $0x2  }
0xdb: {  	_ =	swait.ge @!p0 [sflag:s0], s1  }
0xdc: {  	s1 =	ssub.s32 @!p0 $0x0, s1;
	[sflag:s0] =	ssyncset.done @!p0 $0x0  }
0xdd: {  	[sflag:s0] =	ssyncadd.s32 @!p0 s1  }
0xde: {  	[bflag:$0x3] =	sbarrier.arrive $0xFFFF  }
0xdf: {  	_ =	shalt  }

</sc_bundles>
